<compile_context>
chip_gen: v7x
topology: tpu7x:2x2x1
jax: 0.10.2.dev20260603
libtpu: 0.0.44.dev20260713+nightly
codegen_flags: <defaults>
</compile_context>

<pallas_src>
import functools

import jax
import jax.numpy as jnp
from jax import lax
from jax.experimental import pallas as pl
from jax.experimental.pallas import tpu as pltpu
from jax.experimental.pallas import tpu_sc as plsc

N = 10000
E = 320000
F = 128
O = 64

NC, NS = 2, 16
NW = NC * NS
CHUNK = 128
CPW = 80
NCHUNKS = CPW * NW
EPAD = NCHUNKS * CHUNK
EPW = CPW * CHUNK
DUMMY = N

RPAD = 10240
RPS = RPAD // NS
BLK = 512
NBLK = RPAD // BLK

_f32 = jnp.float32
_mesh = plsc.VectorSubcoreMesh(core_axis_name="c", subcore_axis_name="s")



@functools.partial(
    pl.kernel,
    out_type=jax.ShapeDtypeStruct((NW * RPAD,), _f32),
    mesh=_mesh,
    scratch_types=[
        pltpu.VMEM((EPW,), jnp.int32),
        pltpu.VMEM((RPAD,), _f32),
    ],
    compiler_params=pltpu.CompilerParams(needs_layout_passes=False),
)
def _deg_kernel(dst_hbm, zdeg_hbm, out_hbm, dst_v, hist_v):
    c = lax.axis_index("c")
    s = lax.axis_index("s")
    w = c * NS + s
    pltpu.sync_copy(zdeg_hbm, hist_v)
    pltpu.sync_copy(dst_hbm.at[pl.ds(w * EPW, EPW)], dst_v)
    ones16 = jnp.ones((16,), _f32)

    mask16 = jnp.ones((16,), jnp.bool_)

    @pl.loop(0, EPW // 16)
    def _(g):
        idx = dst_v[pl.ds(g * 16, 16)]
        plsc.addupdate_scatter(hist_v, [idx], ones16, mask=mask16)

    pltpu.sync_copy(hist_v, out_hbm.at[pl.ds(w * RPAD, RPAD)])


@functools.partial(
    pl.kernel,
    out_type=jax.ShapeDtypeStruct((NC * RPAD, F), _f32),
    mesh=_mesh,
    scratch_types=[
        pltpu.VMEM((CPW, CHUNK), jnp.int32),
        pltpu.VMEM((2, CHUNK), jnp.int32),
        pltpu.VMEM((2, CHUNK, F), _f32),
        pltpu.VMEM_SHARED((RPAD, F), _f32),
        pltpu.SemaphoreType.DMA,
        pltpu.SemaphoreType.DMA,
        pltpu.SemaphoreType.DMA,
        pltpu.SemaphoreType.DMA,
    ],
)
def _agg_kernel(v_hbm, src_hbm, dst_hbm, zblk_hbm, out_hbm,
                src_v, dst_v, rows_v, acc_sh, rs0, rs1, ds0, ds1):
    c = lax.axis_index("c")
    s = lax.axis_index("s")
    pltpu.sync_copy(zblk_hbm, acc_sh.at[pl.ds(s * RPS, RPS)])
    cbase = (c * NS + s) * CPW
    pltpu.sync_copy(src_hbm.at[pl.ds(cbase, CPW)], src_v)
    pltpu.sync_copy(dst_hbm.at[cbase], dst_v.at[0])
    plsc.subcore_barrier()
    rsems = (rs0, rs1)
    dsems = (ds0, ds1)

    pltpu.async_copy(v_hbm.at[src_v.at[0]], rows_v.at[0], rs0)

    @pl.loop(0, CPW, step=2)
    def _(j):
        for b in range(2):
            nxt = j + b + 1

            @pl.when(nxt < CPW)
            def _():
                pltpu.async_copy(dst_hbm.at[cbase + nxt], dst_v.at[1 - b],
                                 dsems[1 - b])
                pltpu.async_copy(v_hbm.at[src_v.at[nxt]], rows_v.at[1 - b],
                                 rsems[1 - b])

            @pl.when(j + b > 0)
            def _():
                pltpu.make_async_copy(dst_hbm.at[cbase], dst_v.at[b],
                                      dsems[b]).wait()

            pltpu.make_async_copy(v_hbm.at[pl.ds(0, CHUNK)], rows_v.at[b],
                                  rs0 if b == 0 else rs1).wait()
            pltpu.sync_copy(rows_v.at[b], acc_sh.at[dst_v.at[b]], add=True)

    plsc.subcore_barrier()
    pltpu.sync_copy(acc_sh.at[pl.ds(s * RPS, RPS)],
                    out_hbm.at[pl.ds(c * RPAD + s * RPS, RPS)])



def _dinv_block(degT_blk):
    deg = jnp.sum(degT_blk, axis=1, keepdims=True) + 1.0
    return lax.rsqrt(deg)


def _prep_body(x_ref, w1_ref, degT_ref, v1_ref):
    xw = jnp.dot(x_ref[...], w1_ref[...], preferred_element_type=_f32,
                 precision=lax.Precision.HIGHEST)
    v1_ref[...] = xw * _dinv_block(degT_ref[...])


def _mid_body(s_ref, v1_ref, degT_ref, b1_ref, v2_ref):
    dinv = _dinv_block(degT_ref[...])
    pre = (s_ref[0] + s_ref[1] + v1_ref[...]) * dinv + b1_ref[...]
    v2_ref[...] = jnp.maximum(pre, 0.0) * dinv


def _out_body(t_ref, v2_ref, degT_ref, wmu_ref, bmu_ref, wls_ref, bls_ref,
              mu_ref, ls_ref):
    dinv = _dinv_block(degT_ref[...])
    q = (t_ref[0] + t_ref[1] + v2_ref[...]) * dinv
    mu_ref[...] = jnp.dot(q, wmu_ref[...], preferred_element_type=_f32,
                          precision=lax.Precision.HIGHEST) + bmu_ref[...]
    ls_ref[...] = jnp.dot(q, wls_ref[...], preferred_element_type=_f32,
                          precision=lax.Precision.HIGHEST) + bls_ref[...]


_row = lambda i: (i, 0)

_prep_call = pl.pallas_call(
    _prep_body,
    grid=(NBLK,),
    in_specs=[pl.BlockSpec((BLK, F), _row),
              pl.BlockSpec((F, F), lambda i: (0, 0)),
              pl.BlockSpec((BLK, NW), _row)],
    out_specs=pl.BlockSpec((BLK, F), _row),
    out_shape=jax.ShapeDtypeStruct((RPAD, F), _f32),
)

_mid_call = pl.pallas_call(
    _mid_body,
    grid=(NBLK,),
    in_specs=[pl.BlockSpec((2, BLK, F), lambda i: (0, i, 0)),
              pl.BlockSpec((BLK, F), _row),
              pl.BlockSpec((BLK, NW), _row),
              pl.BlockSpec((1, F), lambda i: (0, 0))],
    out_specs=pl.BlockSpec((BLK, F), _row),
    out_shape=jax.ShapeDtypeStruct((RPAD, F), _f32),
)

_out_call = pl.pallas_call(
    _out_body,
    grid=(NBLK,),
    in_specs=[pl.BlockSpec((2, BLK, F), lambda i: (0, i, 0)),
              pl.BlockSpec((BLK, F), _row),
              pl.BlockSpec((BLK, NW), _row),
              pl.BlockSpec((F, O), lambda i: (0, 0)),
              pl.BlockSpec((1, O), lambda i: (0, 0)),
              pl.BlockSpec((F, O), lambda i: (0, 0)),
              pl.BlockSpec((1, O), lambda i: (0, 0))],
    out_specs=[pl.BlockSpec((BLK, O), _row), pl.BlockSpec((BLK, O), _row)],
    out_shape=[jax.ShapeDtypeStruct((RPAD, O), _f32),
               jax.ShapeDtypeStruct((RPAD, O), _f32)],
)



def kernel(x, edge_index, W1, b1, Wmu, bmu, Wls, bls):
    src = edge_index[0].astype(jnp.int32)
    dst = edge_index[1].astype(jnp.int32)
    pad = EPAD - E
    fill = (jnp.arange(pad, dtype=jnp.int32) % (RPAD - N)) + DUMMY
    src_flat = jnp.concatenate([src, fill])
    dst_flat = jnp.concatenate([dst, fill])
    src1d = src_flat.reshape(NCHUNKS, CHUNK)
    dst1d = dst_flat.reshape(NCHUNKS, CHUNK)

    zdeg = jnp.zeros((RPAD,), _f32)
    zblk = jnp.zeros((RPS, F), _f32)

    degp = _deg_kernel(dst_flat, zdeg)
    degT = degp.reshape(NW, RPAD).T

    x_pad = jnp.concatenate([x, jnp.zeros((RPAD - N, F), _f32)])
    v1 = _prep_call(x_pad, W1, degT)
    s = _agg_kernel(v1, src1d, dst1d, zblk).reshape(NC, RPAD, F)
    v2 = _mid_call(s, v1, degT, b1.reshape(1, F))
    t = _agg_kernel(v2, src1d, dst1d, zblk).reshape(NC, RPAD, F)
    mu, ls = _out_call(t, v2, degT, Wmu, bmu.reshape(1, O),
                       Wls, bls.reshape(1, O))
    return (mu[:N], ls[:N])

# --- scband reference (transcript-rebuilt; emitter-appended) ---
"""Pipeline reference for scband-gcnencoder-89627377533231 (READ-ONLY COPY).

The authoritative reference and input builder live on the scoring server;
editing this copy changes nothing except your own understanding.
"""

import jax, jax.numpy as jnp
import numpy as np

N_NODES = 10000
N_EDGES = 320000
IN_CH = 128
HID_CH = 128
OUT_CH = 64


def setup_inputs(seed: int = 0) -> dict:
    key = jax.random.key(seed)
    k = jax.random.split(key, 8)
    x = jax.random.normal(k[0], (N_NODES, IN_CH), dtype=jnp.float32)
    edge_index = jax.random.randint(k[1], (2, N_EDGES), 0, N_NODES, dtype=jnp.int64)
    # GCNConv weights (glorot-ish scaling)
    W1 = jax.random.normal(k[2], (IN_CH, HID_CH), dtype=jnp.float32) * (1.0 / np.sqrt(IN_CH))
    b1 = jnp.zeros((HID_CH,), dtype=jnp.float32)
    Wmu = jax.random.normal(k[3], (HID_CH, OUT_CH), dtype=jnp.float32) * (1.0 / np.sqrt(HID_CH))
    bmu = jnp.zeros((OUT_CH,), dtype=jnp.float32)
    Wls = jax.random.normal(k[4], (HID_CH, OUT_CH), dtype=jnp.float32) * (1.0 / np.sqrt(HID_CH))
    bls = jnp.zeros((OUT_CH,), dtype=jnp.float32)
    return {"x": x, "edge_index": edge_index, "W1": W1, "b1": b1,
            "Wmu": Wmu, "bmu": bmu, "Wls": Wls, "bls": bls}


def _gcn_conv(x, edge_index, W, b, num_nodes):
    # PyG GCNConv: add self-loops, symmetric normalization D^-1/2 A_hat D^-1/2 X W + b
    loop = jnp.arange(num_nodes, dtype=edge_index.dtype)
    src = jnp.concatenate([edge_index[0], loop])
    dst = jnp.concatenate([edge_index[1], loop])
    deg = jnp.zeros((num_nodes,), dtype=x.dtype).at[dst].add(1.0)
    deg_inv_sqrt = jnp.where(deg > 0, deg ** -0.5, 0.0)
    norm = deg_inv_sqrt[src] * deg_inv_sqrt[dst]
    xw = x @ W
    msg = jnp.take(xw, src, axis=0) * norm[:, None]
    out = jax.ops.segment_sum(msg, dst, num_segments=num_nodes)
    return out + b


def reference(x, edge_index, W1, b1, Wmu, bmu, Wls, bls):
    # num_layers=2 -> single hidden GCN layer, then mu/logstd heads.
    h = _gcn_conv(x, edge_index, W1, b1, N_NODES)
    h = jax.nn.relu(h)
    # dropout is identity in eval mode
    mu = _gcn_conv(h, edge_index, Wmu, bmu, N_NODES)
    logstd = _gcn_conv(h, edge_index, Wls, bls, N_NODES)
    return (mu, logstd)

if __name__ == "__main__":
    import jax
    _d = setup_inputs()
    print(jax.jit(kernel)(*tuple(_d.values())))

</pallas_src>

<mosaic_0001>
#map = affine_map<(d0, d1) -> (0)>
module attributes {stable_mosaic.version = 14 : i64} {
  func.func @_deg_kernel(%arg0: i32, %arg1: i32, %arg2: memref<327680xi32, #tpu.memory_space<hbm>>, %arg3: memref<10240xf32, #tpu.memory_space<hbm>>, %arg4: memref<327680xf32, #tpu.memory_space<hbm>>, %arg5: memref<10240xi32, #tpu.memory_space<vmem>>, %arg6: memref<10240xf32, #tpu.memory_space<vmem>>) attributes {dimension_semantics = [#tpu.dimension_semantics<core_parallel>, #tpu.dimension_semantics<subcore_parallel>], iteration_bounds = array<i64: 2, 16>, scalar_prefetch = 0 : i64, scratch_operands = 2 : i64, tpu.core_type = #tpu.core_type<sc_vector_subcore>, window_params = [{transform_indices = #map}, {transform_indices = #map}, {transform_indices = #map}]} {
    %mul3A = arith.constant 16 : i32
    %mul3A_0 = arith.muli %arg0, %mul3A : i32
    %add3A = arith.addi %mul3A_0, %arg1 : i32
    "tpu.region"() ({
      %run_scoped3A = tpu.sem_alloc : memref<!tpu.dma_semaphore, #tpu.memory_space<semaphore_mem>>
      tpu.enqueue_dma source(%arg3 : memref<10240xf32, #tpu.memory_space<hbm>>) target(%arg6 : memref<10240xf32, #tpu.memory_space<vmem>>) target_semaphore(%run_scoped3A : memref<!tpu.dma_semaphore, #tpu.memory_space<semaphore_mem>>)
      tpu.wait_dma2 semaphore(%run_scoped3A : memref<!tpu.dma_semaphore, #tpu.memory_space<semaphore_mem>>) src(%arg3 : memref<10240xf32, #tpu.memory_space<hbm>>) dst(%arg6 : memref<10240xf32, #tpu.memory_space<vmem>>)
      tpu.yield
    }) : () -> ()
    %mul3A_1 = arith.constant 10240 : i32
    %mul3A_2 = arith.muli %add3A, %mul3A_1 : i32
    "tpu.region"() ({
      %run_scoped3A = tpu.sem_alloc : memref<!tpu.dma_semaphore, #tpu.memory_space<semaphore_mem>>
      %dma_start3A = tpu.memref_slice %arg2[%mul3A_2] : memref<327680xi32, #tpu.memory_space<hbm>> -> memref<10240xi32, #tpu.memory_space<hbm>>
      %dma_start3A_12 = tpu.memref_slice %arg2[%mul3A_2] : memref<327680xi32, #tpu.memory_space<hbm>> -> memref<10240xi32, #tpu.memory_space<hbm>>
      tpu.enqueue_dma source(%dma_start3A_12 : memref<10240xi32, #tpu.memory_space<hbm>>) target(%arg5 : memref<10240xi32, #tpu.memory_space<vmem>>) target_semaphore(%run_scoped3A : memref<!tpu.dma_semaphore, #tpu.memory_space<semaphore_mem>>)
      %dma_wait3A = tpu.memref_slice %arg2[%mul3A_2] : memref<327680xi32, #tpu.memory_space<hbm>> -> memref<10240xi32, #tpu.memory_space<hbm>>
      %dma_wait3A_13 = tpu.memref_slice %arg2[%mul3A_2] : memref<327680xi32, #tpu.memory_space<hbm>> -> memref<10240xi32, #tpu.memory_space<hbm>>
      tpu.wait_dma2 semaphore(%run_scoped3A : memref<!tpu.dma_semaphore, #tpu.memory_space<semaphore_mem>>) src(%dma_wait3A_13 : memref<10240xi32, #tpu.memory_space<hbm>>) dst(%arg5 : memref<10240xi32, #tpu.memory_space<vmem>>)
      tpu.yield
    }) : () -> ()
    %broadcast_in_dim3A = arith.constant 1.000000e+00 : f32
    %broadcast_in_dim3A_3 = vector.broadcast %broadcast_in_dim3A : f32 to vector<16xf32>
    %broadcast_in_dim3A_4 = arith.constant true
    %broadcast_in_dim3A_5 = vector.broadcast %broadcast_in_dim3A_4 : i1 to vector<16xi1>
    %scan3A = arith.constant 0 : i32
    %scan3A_6 = arith.constant 640 : i32
    %scan3A_7 = arith.addi %scan3A, %scan3A_6 : i32
    %scan3A_8 = arith.constant 1 : i32
    scf.for %scan3A_12 = %scan3A to %scan3A_7 step %scan3A_8  : i32 {
      %mul3A_13 = arith.constant 1 : i32
      %mul3A_14 = arith.muli %scan3A_12, %mul3A_13 : i32
      %add3A_15 = arith.constant 0 : i32
      %add3A_16 = arith.addi %add3A_15, %mul3A_14 : i32
      %mul3A_17 = arith.constant 16 : i32
      %mul3A_18 = arith.muli %add3A_16, %mul3A_17 : i32
      %get3A = arith.index_cast %mul3A_18 : i32 to index
      %get3A_19 = tpu.vector_load %arg5[%get3A] {strides = array<i32>} : memref<10240xi32, #tpu.memory_space<vmem>>, vector<16xi32>,
      tpu.vector_store_idx %arg6[%get3A_19], %broadcast_in_dim3A_3 masked %broadcast_in_dim3A_5 {add = true} : memref<10240xf32, #tpu.memory_space<vmem>>[vector<16xi32>], vector<16xf32>, vector<16xi1>
    }
    %scan3A_9 = arith.constant 640 : i32
    %mul3A_10 = arith.constant 10240 : i32
    %mul3A_11 = arith.muli %add3A, %mul3A_10 : i32
    "tpu.region"() ({
      %run_scoped3A = tpu.sem_alloc : memref<!tpu.dma_semaphore, #tpu.memory_space<semaphore_mem>>
      %dma_start3A = tpu.memref_slice %arg4[%mul3A_11] : memref<327680xf32, #tpu.memory_space<hbm>> -> memref<10240xf32, #tpu.memory_space<hbm>>
      %dma_start3A_12 = tpu.memref_slice %arg4[%mul3A_11] : memref<327680xf32, #tpu.memory_space<hbm>> -> memref<10240xf32, #tpu.memory_space<hbm>>
      tpu.enqueue_dma source(%arg6 : memref<10240xf32, #tpu.memory_space<vmem>>) target(%dma_start3A_12 : memref<10240xf32, #tpu.memory_space<hbm>>) target_semaphore(%run_scoped3A : memref<!tpu.dma_semaphore, #tpu.memory_space<semaphore_mem>>)
      %dma_wait3A = tpu.memref_slice %arg4[%mul3A_11] : memref<327680xf32, #tpu.memory_space<hbm>> -> memref<10240xf32, #tpu.memory_space<hbm>>
      %dma_wait3A_13 = tpu.memref_slice %arg4[%mul3A_11] : memref<327680xf32, #tpu.memory_space<hbm>> -> memref<10240xf32, #tpu.memory_space<hbm>>
      tpu.wait_dma2 semaphore(%run_scoped3A : memref<!tpu.dma_semaphore, #tpu.memory_space<semaphore_mem>>) src(%arg6 : memref<10240xf32, #tpu.memory_space<vmem>>) dst(%dma_wait3A_13 : memref<10240xf32, #tpu.memory_space<hbm>>)
      tpu.yield
    }) : () -> ()
    return
  }
}

#map = affine_map<(d0, d1) -> (0, 0)>
module attributes {stable_mosaic.version = 14 : i64} {
  func.func @_agg_kernel(%arg0: i32, %arg1: i32, %arg2: memref<10240x128xf32, #tpu.memory_space<hbm>>, %arg3: memref<2560x128xi32, #tpu.memory_space<hbm>>, %arg4: memref<2560x128xi32, #tpu.memory_space<hbm>>, %arg5: memref<640x128xf32, #tpu.memory_space<hbm>>, %arg6: memref<20480x128xf32, #tpu.memory_space<hbm>>, %arg7: memref<80x128xi32, #tpu.memory_space<vmem>>, %arg8: memref<2x128xi32, #tpu.memory_space<vmem>>, %arg9: memref<2x128x128xf32, #tpu.memory_space<vmem>>, %arg10: memref<10240x128xf32, #tpu.memory_space<vmem_shared>>, %arg11: memref<!tpu.dma_semaphore, #tpu.memory_space<semaphore_mem>>, %arg12: memref<!tpu.dma_semaphore, #tpu.memory_space<semaphore_mem>>, %arg13: memref<!tpu.dma_semaphore, #tpu.memory_space<semaphore_mem>>, %arg14: memref<!tpu.dma_semaphore, #tpu.memory_space<semaphore_mem>>) attributes {dimension_semantics = [#tpu.dimension_semantics<core_parallel>, #tpu.dimension_semantics<subcore_parallel>], iteration_bounds = array<i64: 2, 16>, scalar_prefetch = 0 : i64, scratch_operands = 8 : i64, tpu.core_type = #tpu.core_type<sc_vector_subcore>, window_params = [{transform_indices = #map}, {transform_indices = #map}, {transform_indices = #map}, {transform_indices = #map}, {transform_indices = #map}]} {
    %mul3A = arith.constant 640 : i32
    %mul3A_0 = arith.muli %arg1, %mul3A : i32
    "tpu.region"() ({
      %run_scoped3A_28 = tpu.sem_alloc : memref<!tpu.dma_semaphore, #tpu.memory_space<semaphore_mem>>
      %dma_start3A_29 = arith.constant 0 : i32
      %dma_start3A_30 = tpu.memref_slice %arg10[%mul3A_0, %dma_start3A_29] : memref<10240x128xf32, #tpu.memory_space<vmem_shared>> -> memref<640x128xf32, #tpu.memory_space<vmem_shared>>
      tpu.enqueue_dma source(%arg5 : memref<640x128xf32, #tpu.memory_space<hbm>>) target(%dma_start3A_30 : memref<640x128xf32, #tpu.memory_space<vmem_shared>>) target_semaphore(%run_scoped3A_28 : memref<!tpu.dma_semaphore, #tpu.memory_space<semaphore_mem>>)
      %dma_wait3A = arith.constant 0 : i32
      %dma_wait3A_31 = tpu.memref_slice %arg10[%mul3A_0, %dma_wait3A] : memref<10240x128xf32, #tpu.memory_space<vmem_shared>> -> memref<640x128xf32, #tpu.memory_space<vmem_shared>>
      tpu.wait_dma2 semaphore(%run_scoped3A_28 : memref<!tpu.dma_semaphore, #tpu.memory_space<semaphore_mem>>) src(%arg5 : memref<640x128xf32, #tpu.memory_space<hbm>>) dst(%dma_wait3A_31 : memref<640x128xf32, #tpu.memory_space<vmem_shared>>)
      tpu.yield
    }) : () -> ()
    %mul3A_1 = arith.constant 16 : i32
    %mul3A_2 = arith.muli %arg0, %mul3A_1 : i32
    %add3A = arith.addi %mul3A_2, %arg1 : i32
    %mul3A_3 = arith.constant 80 : i32
    %mul3A_4 = arith.muli %add3A, %mul3A_3 : i32
    "tpu.region"() ({
      %run_scoped3A_28 = tpu.sem_alloc : memref<!tpu.dma_semaphore, #tpu.memory_space<semaphore_mem>>
      %dma_start3A_29 = arith.constant 0 : i32
      %dma_start3A_30 = tpu.memref_slice %arg3[%mul3A_4, %dma_start3A_29] : memref<2560x128xi32, #tpu.memory_space<hbm>> -> memref<80x128xi32, #tpu.memory_space<hbm>>
      %dma_start3A_31 = arith.constant 0 : i32
      %dma_start3A_32 = tpu.memref_slice %arg3[%mul3A_4, %dma_start3A_31] : memref<2560x128xi32, #tpu.memory_space<hbm>> -> memref<80x128xi32, #tpu.memory_space<hbm>>
      tpu.enqueue_dma source(%dma_start3A_32 : memref<80x128xi32, #tpu.memory_space<hbm>>) target(%arg7 : memref<80x128xi32, #tpu.memory_space<vmem>>) target_semaphore(%run_scoped3A_28 : memref<!tpu.dma_semaphore, #tpu.memory_space<semaphore_mem>>)
      %dma_wait3A = arith.constant 0 : i32
      %dma_wait3A_33 = tpu.memref_slice %arg3[%mul3A_4, %dma_wait3A] : memref<2560x128xi32, #tpu.memory_space<hbm>> -> memref<80x128xi32, #tpu.memory_space<hbm>>
      %dma_wait3A_34 = arith.constant 0 : i32
      %dma_wait3A_35 = tpu.memref_slice %arg3[%mul3A_4, %dma_wait3A_34] : memref<2560x128xi32, #tpu.memory_space<hbm>> -> memref<80x128xi32, #tpu.memory_space<hbm>>
      tpu.wait_dma2 semaphore(%run_scoped3A_28 : memref<!tpu.dma_semaphore, #tpu.memory_space<semaphore_mem>>) src(%dma_wait3A_35 : memref<80x128xi32, #tpu.memory_space<hbm>>) dst(%arg7 : memref<80x128xi32, #tpu.memory_space<vmem>>)
      tpu.yield
    }) : () -> ()
    %run_scoped3A = arith.constant 0 : i32
    "tpu.region"() ({
      %run_scoped3A_28 = tpu.sem_alloc : memref<!tpu.dma_semaphore, #tpu.memory_space<semaphore_mem>>
      %dma_start3A_29 = arith.constant 0 : i32
      %dma_start3A_30 = tpu.memref_slice %arg8[%run_scoped3A, %dma_start3A_29] : memref<2x128xi32, #tpu.memory_space<vmem>> -> memref<1x128xi32, #tpu.memory_space<vmem>>
      %dma_start3A_31 = tpu.memref_squeeze %dma_start3A_30 : memref<1x128xi32, #tpu.memory_space<vmem>> -> memref<128xi32, #tpu.memory_space<vmem>>
      %dma_start3A_32 = arith.constant 0 : i32
      %dma_start3A_33 = tpu.memref_slice %arg4[%mul3A_4, %dma_start3A_32] : memref<2560x128xi32, #tpu.memory_space<hbm>> -> memref<1x128xi32, #tpu.memory_space<hbm>>
      %dma_start3A_34 = tpu.memref_squeeze %dma_start3A_33 : memref<1x128xi32, #tpu.memory_space<hbm>> -> memref<128xi32, #tpu.memory_space<hbm>>
      %dma_start3A_35 = arith.constant 0 : i32
      %dma_start3A_36 = tpu.memref_slice %arg8[%run_scoped3A, %dma_start3A_35] : memref<2x128xi32, #tpu.memory_space<vmem>> -> memref<1x128xi32, #tpu.memory_space<vmem>>
      %dma_start3A_37 = tpu.memref_squeeze %dma_start3A_36 : memref<1x128xi32, #tpu.memory_space<vmem>> -> memref<128xi32, #tpu.memory_space<vmem>>
      %dma_start3A_38 = arith.constant 0 : i32
      %dma_start3A_39 = tpu.memref_slice %arg4[%mul3A_4, %dma_start3A_38] : memref<2560x128xi32, #tpu.memory_space<hbm>> -> memref<1x128xi32, #tpu.memory_space<hbm>>
      %dma_start3A_40 = tpu.memref_squeeze %dma_start3A_39 : memref<1x128xi32, #tpu.memory_space<hbm>> -> memref<128xi32, #tpu.memory_space<hbm>>
      tpu.enqueue_dma source(%dma_start3A_40 : memref<128xi32, #tpu.memory_space<hbm>>) target(%dma_start3A_37 : memref<128xi32, #tpu.memory_space<vmem>>) target_semaphore(%run_scoped3A_28 : memref<!tpu.dma_semaphore, #tpu.memory_space<semaphore_mem>>)
      %dma_wait3A = arith.constant 0 : i32
      %dma_wait3A_41 = tpu.memref_slice %arg8[%run_scoped3A, %dma_wait3A] : memref<2x128xi32, #tpu.memory_space<vmem>> -> memref<1x128xi32, #tpu.memory_space<vmem>>
      %dma_wait3A_42 = tpu.memref_squeeze %dma_wait3A_41 : memref<1x128xi32, #tpu.memory_space<vmem>> -> memref<128xi32, #tpu.memory_space<vmem>>
      %dma_wait3A_43 = arith.constant 0 : i32
      %dma_wait3A_44 = tpu.memref_slice %arg4[%mul3A_4, %dma_wait3A_43] : memref<2560x128xi32, #tpu.memory_space<hbm>> -> memref<1x128xi32, #tpu.memory_space<hbm>>
      %dma_wait3A_45 = tpu.memref_squeeze %dma_wait3A_44 : memref<1x128xi32, #tpu.memory_space<hbm>> -> memref<128xi32, #tpu.memory_space<hbm>>
      %dma_wait3A_46 = arith.constant 0 : i32
      %dma_wait3A_47 = tpu.memref_slice %arg8[%run_scoped3A, %dma_wait3A_46] : memref<2x128xi32, #tpu.memory_space<vmem>> -> memref<1x128xi32, #tpu.memory_space<vmem>>
      %dma_wait3A_48 = tpu.memref_squeeze %dma_wait3A_47 : memref<1x128xi32, #tpu.memory_space<vmem>> -> memref<128xi32, #tpu.memory_space<vmem>>
      %dma_wait3A_49 = arith.constant 0 : i32
      %dma_wait3A_50 = tpu.memref_slice %arg4[%mul3A_4, %dma_wait3A_49] : memref<2560x128xi32, #tpu.memory_space<hbm>> -> memref<1x128xi32, #tpu.memory_space<hbm>>
      %dma_wait3A_51 = tpu.memref_squeeze %dma_wait3A_50 : memref<1x128xi32, #tpu.memory_space<hbm>> -> memref<128xi32, #tpu.memory_space<hbm>>
      tpu.wait_dma2 semaphore(%run_scoped3A_28 : memref<!tpu.dma_semaphore, #tpu.memory_space<semaphore_mem>>) src(%dma_wait3A_51 : memref<128xi32, #tpu.memory_space<hbm>>) dst(%dma_wait3A_48 : memref<128xi32, #tpu.memory_space<vmem>>)
      tpu.yield
    }) : () -> ()
    %barrier3A = arith.constant 0 : index
    tpu.barrier barrier_id(%barrier3A)
    %dma_start3A = arith.constant 0 : i32
    %dma_start3A_5 = arith.constant 0 : i32
    %dma_start3A_6 = arith.constant 0 : i32
    %dma_start3A_7 = arith.constant 0 : i32
    %dma_start3A_8 = tpu.memref_slice %arg9[%dma_start3A_5, %dma_start3A_6, %dma_start3A_7] : memref<2x128x128xf32, #tpu.memory_space<vmem>> -> memref<1x128x128xf32, #tpu.memory_space<vmem>>
    %dma_start3A_9 = tpu.memref_squeeze %dma_start3A_8 : memref<1x128x128xf32, #tpu.memory_space<vmem>> -> memref<128x128xf32, #tpu.memory_space<vmem>>
    %dma_start3A_10 = arith.constant 0 : i32
    %dma_start3A_11 = tpu.memref_slice %arg7[%dma_start3A, %dma_start3A_10] : memref<80x128xi32, #tpu.memory_space<vmem>> -> memref<1x128xi32, #tpu.memory_space<vmem>>
    %dma_start3A_12 = tpu.memref_squeeze %dma_start3A_11 : memref<1x128xi32, #tpu.memory_space<vmem>> -> memref<128xi32, #tpu.memory_space<vmem>>
    %dma_start3A_13 = arith.constant 0 : i32
    %dma_start3A_14 = arith.constant 0 : i32
    %dma_start3A_15 = tpu.memref_slice %arg2[%dma_start3A_13, %dma_start3A_14] : memref<10240x128xf32, #tpu.memory_space<hbm>> -> memref<10240x128xf32, #tpu.memory_space<hbm>>
    tpu.enqueue_indirect_dma source(%dma_start3A_15 : memref<10240x128xf32, #tpu.memory_space<hbm>>) target(%dma_start3A_9 : memref<128x128xf32, #tpu.memory_space<vmem>>) offsets(%dma_start3A_12 : memref<128xi32, #tpu.memory_space<vmem>>) semaphore(%arg11 : memref<!tpu.dma_semaphore, #tpu.memory_space<semaphore_mem>>)
    %scan3A = arith.constant 0 : i32
    %scan3A_16 = arith.constant 40 : i32
    %scan3A_17 = arith.addi %scan3A, %scan3A_16 : i32
    %scan3A_18 = arith.constant 1 : i32
    scf.for %scan3A_28 = %scan3A to %scan3A_17 step %scan3A_18  : i32 {
      %mul3A_29 = arith.constant 2 : i32
      %mul3A_30 = arith.muli %scan3A_28, %mul3A_29 : i32
      %add3A_31 = arith.constant 0 : i32
      %add3A_32 = arith.addi %add3A_31, %mul3A_30 : i32
      %add3A_33 = arith.constant 0 : i32
      %add3A_34 = arith.addi %add3A_32, %add3A_33 : i32
      %add3A_35 = arith.constant 1 : i32
      %add3A_36 = arith.addi %add3A_34, %add3A_35 : i32
      %lt3A = arith.constant 80 : i32
      %lt3A_37 = arith.cmpi slt, %add3A_36, %lt3A : i32
      %convert_element_type3A = arith.extui %lt3A_37 : i1 to i32
      %cond3A = arith.constant 0 : i32
      %cond3A_38 = arith.cmpi ne, %convert_element_type3A, %cond3A : i32
      scf.if %cond3A_38 {
        %add3A_94 = arith.addi %mul3A_4, %add3A_36 : i32
        %dma_start3A_95 = arith.constant 1 : i32
        %dma_start3A_96 = arith.constant 0 : i32
        %dma_start3A_97 = tpu.memref_slice %arg8[%dma_start3A_95, %dma_start3A_96] : memref<2x128xi32, #tpu.memory_space<vmem>> -> memref<1x128xi32, #tpu.memory_space<vmem>>
        %dma_start3A_98 = tpu.memref_squeeze %dma_start3A_97 : memref<1x128xi32, #tpu.memory_space<vmem>> -> memref<128xi32, #tpu.memory_space<vmem>>
        %dma_start3A_99 = arith.constant 0 : i32
        %dma_start3A_100 = tpu.memref_slice %arg4[%add3A_94, %dma_start3A_99] : memref<2560x128xi32, #tpu.memory_space<hbm>> -> memref<1x128xi32, #tpu.memory_space<hbm>>
        %dma_start3A_101 = tpu.memref_squeeze %dma_start3A_100 : memref<1x128xi32, #tpu.memory_space<hbm>> -> memref<128xi32, #tpu.memory_space<hbm>>
        %dma_start3A_102 = arith.constant 0 : i32
        %dma_start3A_103 = tpu.memref_slice %arg8[%dma_start3A_95, %dma_start3A_102] : memref<2x128xi32, #tpu.memory_space<vmem>> -> memref<1x128xi32, #tpu.memory_space<vmem>>
        %dma_start3A_104 = tpu.memref_squeeze %dma_start3A_103 : memref<1x128xi32, #tpu.memory_space<vmem>> -> memref<128xi32, #tpu.memory_space<vmem>>
        %dma_start3A_105 = arith.constant 0 : i32
        %dma_start3A_106 = tpu.memref_slice %arg4[%add3A_94, %dma_start3A_105] : memref<2560x128xi32, #tpu.memory_space<hbm>> -> memref<1x128xi32, #tpu.memory_space<hbm>>
        %dma_start3A_107 = tpu.memref_squeeze %dma_start3A_106 : memref<1x128xi32, #tpu.memory_space<hbm>> -> memref<128xi32, #tpu.memory_space<hbm>>
        tpu.enqueue_dma source(%dma_start3A_107 : memref<128xi32, #tpu.memory_space<hbm>>) target(%dma_start3A_104 : memref<128xi32, #tpu.memory_space<vmem>>) target_semaphore(%arg14 : memref<!tpu.dma_semaphore, #tpu.memory_space<semaphore_mem>>)
        %dma_start3A_108 = arith.constant 1 : i32
        %dma_start3A_109 = arith.constant 0 : i32
        %dma_start3A_110 = arith.constant 0 : i32
        %dma_start3A_111 = tpu.memref_slice %arg9[%dma_start3A_108, %dma_start3A_109, %dma_start3A_110] : memref<2x128x128xf32, #tpu.memory_space<vmem>> -> memref<1x128x128xf32, #tpu.memory_space<vmem>>
        %dma_start3A_112 = tpu.memref_squeeze %dma_start3A_111 : memref<1x128x128xf32, #tpu.memory_space<vmem>> -> memref<128x128xf32, #tpu.memory_space<vmem>>
        %dma_start3A_113 = arith.constant 0 : i32
        %dma_start3A_114 = tpu.memref_slice %arg7[%add3A_36, %dma_start3A_113] : memref<80x128xi32, #tpu.memory_space<vmem>> -> memref<1x128xi32, #tpu.memory_space<vmem>>
        %dma_start3A_115 = tpu.memref_squeeze %dma_start3A_114 : memref<1x128xi32, #tpu.memory_space<vmem>> -> memref<128xi32, #tpu.memory_space<vmem>>
        %dma_start3A_116 = arith.constant 0 : i32
        %dma_start3A_117 = arith.constant 0 : i32
        %dma_start3A_118 = tpu.memref_slice %arg2[%dma_start3A_116, %dma_start3A_117] : memref<10240x128xf32, #tpu.memory_space<hbm>> -> memref<10240x128xf32, #tpu.memory_space<hbm>>
        tpu.enqueue_indirect_dma source(%dma_start3A_118 : memref<10240x128xf32, #tpu.memory_space<hbm>>) target(%dma_start3A_112 : memref<128x128xf32, #tpu.memory_space<vmem>>) offsets(%dma_start3A_115 : memref<128xi32, #tpu.memory_space<vmem>>) semaphore(%arg12 : memref<!tpu.dma_semaphore, #tpu.memory_space<semaphore_mem>>)
      } else {
      }
      %add3A_39 = arith.constant 0 : i32
      %add3A_40 = arith.addi %add3A_32, %add3A_39 : i32
      %gt3A = arith.constant 0 : i32
      %gt3A_41 = arith.cmpi sgt, %add3A_40, %gt3A : i32
      %convert_element_type3A_42 = arith.extui %gt3A_41 : i1 to i32
      %cond3A_43 = arith.constant 0 : i32
      %cond3A_44 = arith.cmpi ne, %convert_element_type3A_42, %cond3A_43 : i32
      scf.if %cond3A_44 {
        %dma_wait3A_94 = arith.constant 0 : i32
        %dma_wait3A_95 = arith.constant 0 : i32
        %dma_wait3A_96 = tpu.memref_slice %arg8[%dma_wait3A_94, %dma_wait3A_95] : memref<2x128xi32, #tpu.memory_space<vmem>> -> memref<1x128xi32, #tpu.memory_space<vmem>>
        %dma_wait3A_97 = tpu.memref_squeeze %dma_wait3A_96 : memref<1x128xi32, #tpu.memory_space<vmem>> -> memref<128xi32, #tpu.memory_space<vmem>>
        %dma_wait3A_98 = arith.constant 0 : i32
        %dma_wait3A_99 = tpu.memref_slice %arg4[%mul3A_4, %dma_wait3A_98] : memref<2560x128xi32, #tpu.memory_space<hbm>> -> memref<1x128xi32, #tpu.memory_space<hbm>>
        %dma_wait3A_100 = tpu.memref_squeeze %dma_wait3A_99 : memref<1x128xi32, #tpu.memory_space<hbm>> -> memref<128xi32, #tpu.memory_space<hbm>>
        %dma_wait3A_101 = arith.constant 0 : i32
        %dma_wait3A_102 = tpu.memref_slice %arg8[%dma_wait3A_94, %dma_wait3A_101] : memref<2x128xi32, #tpu.memory_space<vmem>> -> memref<1x128xi32, #tpu.memory_space<vmem>>
        %dma_wait3A_103 = tpu.memref_squeeze %dma_wait3A_102 : memref<1x128xi32, #tpu.memory_space<vmem>> -> memref<128xi32, #tpu.memory_space<vmem>>
        %dma_wait3A_104 = arith.constant 0 : i32
        %dma_wait3A_105 = tpu.memref_slice %arg4[%mul3A_4, %dma_wait3A_104] : memref<2560x128xi32, #tpu.memory_space<hbm>> -> memref<1x128xi32, #tpu.memory_space<hbm>>
        %dma_wait3A_106 = tpu.memref_squeeze %dma_wait3A_105 : memref<1x128xi32, #tpu.memory_space<hbm>> -> memref<128xi32, #tpu.memory_space<hbm>>
        tpu.wait_dma2 semaphore(%arg13 : memref<!tpu.dma_semaphore, #tpu.memory_space<semaphore_mem>>) src(%dma_wait3A_106 : memref<128xi32, #tpu.memory_space<hbm>>) dst(%dma_wait3A_103 : memref<128xi32, #tpu.memory_space<vmem>>)
      } else {
      }
      %dma_wait3A = arith.constant 0 : i32
      %dma_wait3A_45 = arith.constant 0 : i32
      %dma_wait3A_46 = arith.constant 0 : i32
      %dma_wait3A_47 = tpu.memref_slice %arg9[%dma_wait3A, %dma_wait3A_45, %dma_wait3A_46] : memref<2x128x128xf32, #tpu.memory_space<vmem>> -> memref<1x128x128xf32, #tpu.memory_space<vmem>>
      %dma_wait3A_48 = tpu.memref_squeeze %dma_wait3A_47 : memref<1x128x128xf32, #tpu.memory_space<vmem>> -> memref<128x128xf32, #tpu.memory_space<vmem>>
      %dma_wait3A_49 = arith.constant 0 : i32
      %dma_wait3A_50 = arith.constant 0 : i32
      %dma_wait3A_51 = tpu.memref_slice %arg2[%dma_wait3A_49, %dma_wait3A_50] : memref<10240x128xf32, #tpu.memory_space<hbm>> -> memref<128x128xf32, #tpu.memory_space<hbm>>
      %dma_wait3A_52 = arith.constant 0 : i32
      %dma_wait3A_53 = arith.constant 0 : i32
      %dma_wait3A_54 = tpu.memref_slice %arg9[%dma_wait3A, %dma_wait3A_52, %dma_wait3A_53] : memref<2x128x128xf32, #tpu.memory_space<vmem>> -> memref<1x128x128xf32, #tpu.memory_space<vmem>>
      %dma_wait3A_55 = tpu.memref_squeeze %dma_wait3A_54 : memref<1x128x128xf32, #tpu.memory_space<vmem>> -> memref<128x128xf32, #tpu.memory_space<vmem>>
      %dma_wait3A_56 = arith.constant 0 : i32
      %dma_wait3A_57 = arith.constant 0 : i32
      %dma_wait3A_58 = tpu.memref_slice %arg2[%dma_wait3A_56, %dma_wait3A_57] : memref<10240x128xf32, #tpu.memory_space<hbm>> -> memref<128x128xf32, #tpu.memory_space<hbm>>
      tpu.wait_dma2 semaphore(%arg11 : memref<!tpu.dma_semaphore, #tpu.memory_space<semaphore_mem>>) src(%dma_wait3A_58 : memref<128x128xf32, #tpu.memory_space<hbm>>) dst(%dma_wait3A_55 : memref<128x128xf32, #tpu.memory_space<vmem>>)
      %run_scoped3A_59 = arith.constant 0 : i32
      %run_scoped3A_60 = arith.constant 0 : i32
      "tpu.region"() ({
        %run_scoped3A_94 = tpu.sem_alloc : memref<!tpu.dma_semaphore, #tpu.memory_space<semaphore_mem>>
        %dma_start3A_95 = arith.constant 0 : i32
        %dma_start3A_96 = arith.constant 0 : i32
        %dma_start3A_97 = tpu.memref_slice %arg9[%run_scoped3A_59, %dma_start3A_95, %dma_start3A_96] : memref<2x128x128xf32, #tpu.memory_space<vmem>> -> memref<1x128x128xf32, #tpu.memory_space<vmem>>
        %dma_start3A_98 = tpu.memref_squeeze %dma_start3A_97 : memref<1x128x128xf32, #tpu.memory_space<vmem>> -> memref<128x128xf32, #tpu.memory_space<vmem>>
        %dma_start3A_99 = arith.constant 0 : i32
        %dma_start3A_100 = tpu.memref_slice %arg8[%run_scoped3A_60, %dma_start3A_99] : memref<2x128xi32, #tpu.memory_space<vmem>> -> memref<1x128xi32, #tpu.memory_space<vmem>>
        %dma_start3A_101 = tpu.memref_squeeze %dma_start3A_100 : memref<1x128xi32, #tpu.memory_space<vmem>> -> memref<128xi32, #tpu.memory_space<vmem>>
        %dma_start3A_102 = arith.constant 0 : i32
        %dma_start3A_103 = arith.constant 0 : i32
        %dma_start3A_104 = tpu.memref_slice %arg10[%dma_start3A_102, %dma_start3A_103] : memref<10240x128xf32, #tpu.memory_space<vmem_shared>> -> memref<10240x128xf32, #tpu.memory_space<vmem_shared>>
        tpu.enqueue_indirect_dma source(%dma_start3A_98 : memref<128x128xf32, #tpu.memory_space<vmem>>) target(%dma_start3A_104 : memref<10240x128xf32, #tpu.memory_space<vmem_shared>>) offsets(%dma_start3A_101 : memref<128xi32, #tpu.memory_space<vmem>>) semaphore(%run_scoped3A_94 : memref<!tpu.dma_semaphore, #tpu.memory_space<semaphore_mem>>) {add = true}
        %dma_wait3A_105 = arith.constant 0 : i32
        %dma_wait3A_106 = arith.constant 0 : i32
        %dma_wait3A_107 = tpu.memref_slice %arg9[%run_scoped3A_59, %dma_wait3A_105, %dma_wait3A_106] : memref<2x128x128xf32, #tpu.memory_space<vmem>> -> memref<1x128x128xf32, #tpu.memory_space<vmem>>
        %dma_wait3A_108 = tpu.memref_squeeze %dma_wait3A_107 : memref<1x128x128xf32, #tpu.memory_space<vmem>> -> memref<128x128xf32, #tpu.memory_space<vmem>>
        %dma_wait3A_109 = arith.constant 0 : i32
        %dma_wait3A_110 = tpu.memref_slice %arg8[%run_scoped3A_60, %dma_wait3A_109] : memref<2x128xi32, #tpu.memory_space<vmem>> -> memref<1x128xi32, #tpu.memory_space<vmem>>
        %dma_wait3A_111 = tpu.memref_squeeze %dma_wait3A_110 : memref<1x128xi32, #tpu.memory_space<vmem>> -> memref<128xi32, #tpu.memory_space<vmem>>
        %dma_wait3A_112 = arith.constant 0 : i32
        %dma_wait3A_113 = arith.constant 0 : i32
        %dma_wait3A_114 = tpu.memref_slice %arg10[%dma_wait3A_112, %dma_wait3A_113] : memref<10240x128xf32, #tpu.memory_space<vmem_shared>> -> memref<10240x128xf32, #tpu.memory_space<vmem_shared>>
        tpu.wait_indirect_dma semaphore(%run_scoped3A_94 : memref<!tpu.dma_semaphore, #tpu.memory_space<semaphore_mem>>) src(%dma_wait3A_108 : memref<128x128xf32, #tpu.memory_space<vmem>>) dst(%dma_wait3A_114 : memref<10240x128xf32, #tpu.memory_space<vmem_shared>>)
        tpu.yield
      }) : () -> ()
      %add3A_61 = arith.constant 1 : i32
      %add3A_62 = arith.addi %add3A_32, %add3A_61 : i32
      %add3A_63 = arith.constant 1 : i32
      %add3A_64 = arith.addi %add3A_62, %add3A_63 : i32
      %lt3A_65 = arith.constant 80 : i32
      %lt3A_66 = arith.cmpi slt, %add3A_64, %lt3A_65 : i32
      %convert_element_type3A_67 = arith.extui %lt3A_66 : i1 to i32
      %cond3A_68 = arith.constant 0 : i32
      %cond3A_69 = arith.cmpi ne, %convert_element_type3A_67, %cond3A_68 : i32
      scf.if %cond3A_69 {
        %add3A_94 = arith.addi %mul3A_4, %add3A_64 : i32
        %dma_start3A_95 = arith.constant 0 : i32
        %dma_start3A_96 = arith.constant 0 : i32
        %dma_start3A_97 = tpu.memref_slice %arg8[%dma_start3A_95, %dma_start3A_96] : memref<2x128xi32, #tpu.memory_space<vmem>> -> memref<1x128xi32, #tpu.memory_space<vmem>>
        %dma_start3A_98 = tpu.memref_squeeze %dma_start3A_97 : memref<1x128xi32, #tpu.memory_space<vmem>> -> memref<128xi32, #tpu.memory_space<vmem>>
        %dma_start3A_99 = arith.constant 0 : i32
        %dma_start3A_100 = tpu.memref_slice %arg4[%add3A_94, %dma_start3A_99] : memref<2560x128xi32, #tpu.memory_space<hbm>> -> memref<1x128xi32, #tpu.memory_space<hbm>>
        %dma_start3A_101 = tpu.memref_squeeze %dma_start3A_100 : memref<1x128xi32, #tpu.memory_space<hbm>> -> memref<128xi32, #tpu.memory_space<hbm>>
        %dma_start3A_102 = arith.constant 0 : i32
        %dma_start3A_103 = tpu.memref_slice %arg8[%dma_start3A_95, %dma_start3A_102] : memref<2x128xi32, #tpu.memory_space<vmem>> -> memref<1x128xi32, #tpu.memory_space<vmem>>
        %dma_start3A_104 = tpu.memref_squeeze %dma_start3A_103 : memref<1x128xi32, #tpu.memory_space<vmem>> -> memref<128xi32, #tpu.memory_space<vmem>>
        %dma_start3A_105 = arith.constant 0 : i32
        %dma_start3A_106 = tpu.memref_slice %arg4[%add3A_94, %dma_start3A_105] : memref<2560x128xi32, #tpu.memory_space<hbm>> -> memref<1x128xi32, #tpu.memory_space<hbm>>
        %dma_start3A_107 = tpu.memref_squeeze %dma_start3A_106 : memref<1x128xi32, #tpu.memory_space<hbm>> -> memref<128xi32, #tpu.memory_space<hbm>>
        tpu.enqueue_dma source(%dma_start3A_107 : memref<128xi32, #tpu.memory_space<hbm>>) target(%dma_start3A_104 : memref<128xi32, #tpu.memory_space<vmem>>) target_semaphore(%arg13 : memref<!tpu.dma_semaphore, #tpu.memory_space<semaphore_mem>>)
        %dma_start3A_108 = arith.constant 0 : i32
        %dma_start3A_109 = arith.constant 0 : i32
        %dma_start3A_110 = arith.constant 0 : i32
        %dma_start3A_111 = tpu.memref_slice %arg9[%dma_start3A_108, %dma_start3A_109, %dma_start3A_110] : memref<2x128x128xf32, #tpu.memory_space<vmem>> -> memref<1x128x128xf32, #tpu.memory_space<vmem>>
        %dma_start3A_112 = tpu.memref_squeeze %dma_start3A_111 : memref<1x128x128xf32, #tpu.memory_space<vmem>> -> memref<128x128xf32, #tpu.memory_space<vmem>>
        %dma_start3A_113 = arith.constant 0 : i32
        %dma_start3A_114 = tpu.memref_slice %arg7[%add3A_64, %dma_start3A_113] : memref<80x128xi32, #tpu.memory_space<vmem>> -> memref<1x128xi32, #tpu.memory_space<vmem>>
        %dma_start3A_115 = tpu.memref_squeeze %dma_start3A_114 : memref<1x128xi32, #tpu.memory_space<vmem>> -> memref<128xi32, #tpu.memory_space<vmem>>
        %dma_start3A_116 = arith.constant 0 : i32
        %dma_start3A_117 = arith.constant 0 : i32
        %dma_start3A_118 = tpu.memref_slice %arg2[%dma_start3A_116, %dma_start3A_117] : memref<10240x128xf32, #tpu.memory_space<hbm>> -> memref<10240x128xf32, #tpu.memory_space<hbm>>
        tpu.enqueue_indirect_dma source(%dma_start3A_118 : memref<10240x128xf32, #tpu.memory_space<hbm>>) target(%dma_start3A_112 : memref<128x128xf32, #tpu.memory_space<vmem>>) offsets(%dma_start3A_115 : memref<128xi32, #tpu.memory_space<vmem>>) semaphore(%arg11 : memref<!tpu.dma_semaphore, #tpu.memory_space<semaphore_mem>>)
      } else {
      }
      %add3A_70 = arith.constant 1 : i32
      %add3A_71 = arith.addi %add3A_32, %add3A_70 : i32
      %gt3A_72 = arith.constant 0 : i32
      %gt3A_73 = arith.cmpi sgt, %add3A_71, %gt3A_72 : i32
      %convert_element_type3A_74 = arith.extui %gt3A_73 : i1 to i32
      %cond3A_75 = arith.constant 0 : i32
      %cond3A_76 = arith.cmpi ne, %convert_element_type3A_74, %cond3A_75 : i32
      scf.if %cond3A_76 {
        %dma_wait3A_94 = arith.constant 1 : i32
        %dma_wait3A_95 = arith.constant 0 : i32
        %dma_wait3A_96 = tpu.memref_slice %arg8[%dma_wait3A_94, %dma_wait3A_95] : memref<2x128xi32, #tpu.memory_space<vmem>> -> memref<1x128xi32, #tpu.memory_space<vmem>>
        %dma_wait3A_97 = tpu.memref_squeeze %dma_wait3A_96 : memref<1x128xi32, #tpu.memory_space<vmem>> -> memref<128xi32, #tpu.memory_space<vmem>>
        %dma_wait3A_98 = arith.constant 0 : i32
        %dma_wait3A_99 = tpu.memref_slice %arg4[%mul3A_4, %dma_wait3A_98] : memref<2560x128xi32, #tpu.memory_space<hbm>> -> memref<1x128xi32, #tpu.memory_space<hbm>>
        %dma_wait3A_100 = tpu.memref_squeeze %dma_wait3A_99 : memref<1x128xi32, #tpu.memory_space<hbm>> -> memref<128xi32, #tpu.memory_space<hbm>>
        %dma_wait3A_101 = arith.constant 0 : i32
        %dma_wait3A_102 = tpu.memref_slice %arg8[%dma_wait3A_94, %dma_wait3A_101] : memref<2x128xi32, #tpu.memory_space<vmem>> -> memref<1x128xi32, #tpu.memory_space<vmem>>
        %dma_wait3A_103 = tpu.memref_squeeze %dma_wait3A_102 : memref<1x128xi32, #tpu.memory_space<vmem>> -> memref<128xi32, #tpu.memory_space<vmem>>
        %dma_wait3A_104 = arith.constant 0 : i32
        %dma_wait3A_105 = tpu.memref_slice %arg4[%mul3A_4, %dma_wait3A_104] : memref<2560x128xi32, #tpu.memory_space<hbm>> -> memref<1x128xi32, #tpu.memory_space<hbm>>
        %dma_wait3A_106 = tpu.memref_squeeze %dma_wait3A_105 : memref<1x128xi32, #tpu.memory_space<hbm>> -> memref<128xi32, #tpu.memory_space<hbm>>
        tpu.wait_dma2 semaphore(%arg14 : memref<!tpu.dma_semaphore, #tpu.memory_space<semaphore_mem>>) src(%dma_wait3A_106 : memref<128xi32, #tpu.memory_space<hbm>>) dst(%dma_wait3A_103 : memref<128xi32, #tpu.memory_space<vmem>>)
      } else {
      }
      %dma_wait3A_77 = arith.constant 1 : i32
      %dma_wait3A_78 = arith.constant 0 : i32
      %dma_wait3A_79 = arith.constant 0 : i32
      %dma_wait3A_80 = tpu.memref_slice %arg9[%dma_wait3A_77, %dma_wait3A_78, %dma_wait3A_79] : memref<2x128x128xf32, #tpu.memory_space<vmem>> -> memref<1x128x128xf32, #tpu.memory_space<vmem>>
      %dma_wait3A_81 = tpu.memref_squeeze %dma_wait3A_80 : memref<1x128x128xf32, #tpu.memory_space<vmem>> -> memref<128x128xf32, #tpu.memory_space<vmem>>
      %dma_wait3A_82 = arith.constant 0 : i32
      %dma_wait3A_83 = arith.constant 0 : i32
      %dma_wait3A_84 = tpu.memref_slice %arg2[%dma_wait3A_82, %dma_wait3A_83] : memref<10240x128xf32, #tpu.memory_space<hbm>> -> memref<128x128xf32, #tpu.memory_space<hbm>>
      %dma_wait3A_85 = arith.constant 0 : i32
      %dma_wait3A_86 = arith.constant 0 : i32
      %dma_wait3A_87 = tpu.memref_slice %arg9[%dma_wait3A_77, %dma_wait3A_85, %dma_wait3A_86] : memref<2x128x128xf32, #tpu.memory_space<vmem>> -> memref<1x128x128xf32, #tpu.memory_space<vmem>>
      %dma_wait3A_88 = tpu.memref_squeeze %dma_wait3A_87 : memref<1x128x128xf32, #tpu.memory_space<vmem>> -> memref<128x128xf32, #tpu.memory_space<vmem>>
      %dma_wait3A_89 = arith.constant 0 : i32
      %dma_wait3A_90 = arith.constant 0 : i32
      %dma_wait3A_91 = tpu.memref_slice %arg2[%dma_wait3A_89, %dma_wait3A_90] : memref<10240x128xf32, #tpu.memory_space<hbm>> -> memref<128x128xf32, #tpu.memory_space<hbm>>
      tpu.wait_dma2 semaphore(%arg12 : memref<!tpu.dma_semaphore, #tpu.memory_space<semaphore_mem>>) src(%dma_wait3A_91 : memref<128x128xf32, #tpu.memory_space<hbm>>) dst(%dma_wait3A_88 : memref<128x128xf32, #tpu.memory_space<vmem>>)
      %run_scoped3A_92 = arith.constant 1 : i32
      %run_scoped3A_93 = arith.constant 1 : i32
      "tpu.region"() ({
        %run_scoped3A_94 = tpu.sem_alloc : memref<!tpu.dma_semaphore, #tpu.memory_space<semaphore_mem>>
        %dma_start3A_95 = arith.constant 0 : i32
        %dma_start3A_96 = arith.constant 0 : i32
        %dma_start3A_97 = tpu.memref_slice %arg9[%run_scoped3A_92, %dma_start3A_95, %dma_start3A_96] : memref<2x128x128xf32, #tpu.memory_space<vmem>> -> memref<1x128x128xf32, #tpu.memory_space<vmem>>
        %dma_start3A_98 = tpu.memref_squeeze %dma_start3A_97 : memref<1x128x128xf32, #tpu.memory_space<vmem>> -> memref<128x128xf32, #tpu.memory_space<vmem>>
        %dma_start3A_99 = arith.constant 0 : i32
        %dma_start3A_100 = tpu.memref_slice %arg8[%run_scoped3A_93, %dma_start3A_99] : memref<2x128xi32, #tpu.memory_space<vmem>> -> memref<1x128xi32, #tpu.memory_space<vmem>>
        %dma_start3A_101 = tpu.memref_squeeze %dma_start3A_100 : memref<1x128xi32, #tpu.memory_space<vmem>> -> memref<128xi32, #tpu.memory_space<vmem>>
        %dma_start3A_102 = arith.constant 0 : i32
        %dma_start3A_103 = arith.constant 0 : i32
        %dma_start3A_104 = tpu.memref_slice %arg10[%dma_start3A_102, %dma_start3A_103] : memref<10240x128xf32, #tpu.memory_space<vmem_shared>> -> memref<10240x128xf32, #tpu.memory_space<vmem_shared>>
        tpu.enqueue_indirect_dma source(%dma_start3A_98 : memref<128x128xf32, #tpu.memory_space<vmem>>) target(%dma_start3A_104 : memref<10240x128xf32, #tpu.memory_space<vmem_shared>>) offsets(%dma_start3A_101 : memref<128xi32, #tpu.memory_space<vmem>>) semaphore(%run_scoped3A_94 : memref<!tpu.dma_semaphore, #tpu.memory_space<semaphore_mem>>) {add = true}
        %dma_wait3A_105 = arith.constant 0 : i32
        %dma_wait3A_106 = arith.constant 0 : i32
        %dma_wait3A_107 = tpu.memref_slice %arg9[%run_scoped3A_92, %dma_wait3A_105, %dma_wait3A_106] : memref<2x128x128xf32, #tpu.memory_space<vmem>> -> memref<1x128x128xf32, #tpu.memory_space<vmem>>
        %dma_wait3A_108 = tpu.memref_squeeze %dma_wait3A_107 : memref<1x128x128xf32, #tpu.memory_space<vmem>> -> memref<128x128xf32, #tpu.memory_space<vmem>>
        %dma_wait3A_109 = arith.constant 0 : i32
        %dma_wait3A_110 = tpu.memref_slice %arg8[%run_scoped3A_93, %dma_wait3A_109] : memref<2x128xi32, #tpu.memory_space<vmem>> -> memref<1x128xi32, #tpu.memory_space<vmem>>
        %dma_wait3A_111 = tpu.memref_squeeze %dma_wait3A_110 : memref<1x128xi32, #tpu.memory_space<vmem>> -> memref<128xi32, #tpu.memory_space<vmem>>
        %dma_wait3A_112 = arith.constant 0 : i32
        %dma_wait3A_113 = arith.constant 0 : i32
        %dma_wait3A_114 = tpu.memref_slice %arg10[%dma_wait3A_112, %dma_wait3A_113] : memref<10240x128xf32, #tpu.memory_space<vmem_shared>> -> memref<10240x128xf32, #tpu.memory_space<vmem_shared>>
        tpu.wait_indirect_dma semaphore(%run_scoped3A_94 : memref<!tpu.dma_semaphore, #tpu.memory_space<semaphore_mem>>) src(%dma_wait3A_108 : memref<128x128xf32, #tpu.memory_space<vmem>>) dst(%dma_wait3A_114 : memref<10240x128xf32, #tpu.memory_space<vmem_shared>>)
        tpu.yield
      }) : () -> ()
    }
    %scan3A_19 = arith.constant 40 : i32
    %barrier3A_20 = arith.constant 0 : index
    tpu.barrier barrier_id(%barrier3A_20)
    %mul3A_21 = arith.constant 640 : i32
    %mul3A_22 = arith.muli %arg1, %mul3A_21 : i32
    %mul3A_23 = arith.constant 10240 : i32
    %mul3A_24 = arith.muli %arg0, %mul3A_23 : i32
    %mul3A_25 = arith.constant 640 : i32
    %mul3A_26 = arith.muli %arg1, %mul3A_25 : i32
    %add3A_27 = arith.addi %mul3A_24, %mul3A_26 : i32
    "tpu.region"() ({
      %run_scoped3A_28 = tpu.sem_alloc : memref<!tpu.dma_semaphore, #tpu.memory_space<semaphore_mem>>
      %dma_start3A_29 = arith.constant 0 : i32
      %dma_start3A_30 = tpu.memref_slice %arg6[%add3A_27, %dma_start3A_29] : memref<20480x128xf32, #tpu.memory_space<hbm>> -> memref<640x128xf32, #tpu.memory_space<hbm>>
      %dma_start3A_31 = arith.constant 0 : i32
      %dma_start3A_32 = tpu.memref_slice %arg10[%mul3A_22, %dma_start3A_31] : memref<10240x128xf32, #tpu.memory_space<vmem_shared>> -> memref<640x128xf32, #tpu.memory_space<vmem_shared>>
      tpu.enqueue_dma source(%dma_start3A_32 : memref<640x128xf32, #tpu.memory_space<vmem_shared>>) target(%dma_start3A_30 : memref<640x128xf32, #tpu.memory_space<hbm>>) target_semaphore(%run_scoped3A_28 : memref<!tpu.dma_semaphore, #tpu.memory_space<semaphore_mem>>)
      %dma_wait3A = arith.constant 0 : i32
      %dma_wait3A_33 = tpu.memref_slice %arg6[%add3A_27, %dma_wait3A] : memref<20480x128xf32, #tpu.memory_space<hbm>> -> memref<640x128xf32, #tpu.memory_space<hbm>>
      %dma_wait3A_34 = arith.constant 0 : i32
      %dma_wait3A_35 = tpu.memref_slice %arg10[%mul3A_22, %dma_wait3A_34] : memref<10240x128xf32, #tpu.memory_space<vmem_shared>> -> memref<640x128xf32, #tpu.memory_space<vmem_shared>>
      tpu.wait_dma2 semaphore(%run_scoped3A_28 : memref<!tpu.dma_semaphore, #tpu.memory_space<semaphore_mem>>) src(%dma_wait3A_35 : memref<640x128xf32, #tpu.memory_space<vmem_shared>>) dst(%dma_wait3A_33 : memref<640x128xf32, #tpu.memory_space<hbm>>)
      tpu.yield
    }) : () -> ()
    return
  }
}

#map = affine_map<(d0, d1) -> (0, 0)>
module attributes {stable_mosaic.version = 14 : i64} {
  func.func @_agg_kernel(%arg0: i32, %arg1: i32, %arg2: memref<10240x128xf32, #tpu.memory_space<hbm>>, %arg3: memref<2560x128xi32, #tpu.memory_space<hbm>>, %arg4: memref<2560x128xi32, #tpu.memory_space<hbm>>, %arg5: memref<640x128xf32, #tpu.memory_space<hbm>>, %arg6: memref<20480x128xf32, #tpu.memory_space<hbm>>, %arg7: memref<80x128xi32, #tpu.memory_space<vmem>>, %arg8: memref<2x128xi32, #tpu.memory_space<vmem>>, %arg9: memref<2x128x128xf32, #tpu.memory_space<vmem>>, %arg10: memref<10240x128xf32, #tpu.memory_space<vmem_shared>>, %arg11: memref<!tpu.dma_semaphore, #tpu.memory_space<semaphore_mem>>, %arg12: memref<!tpu.dma_semaphore, #tpu.memory_space<semaphore_mem>>, %arg13: memref<!tpu.dma_semaphore, #tpu.memory_space<semaphore_mem>>, %arg14: memref<!tpu.dma_semaphore, #tpu.memory_space<semaphore_mem>>) attributes {dimension_semantics = [#tpu.dimension_semantics<core_parallel>, #tpu.dimension_semantics<subcore_parallel>], iteration_bounds = array<i64: 2, 16>, scalar_prefetch = 0 : i64, scratch_operands = 8 : i64, tpu.core_type = #tpu.core_type<sc_vector_subcore>, window_params = [{transform_indices = #map}, {transform_indices = #map}, {transform_indices = #map}, {transform_indices = #map}, {transform_indices = #map}]} {
    %mul3A = arith.constant 640 : i32
    %mul3A_0 = arith.muli %arg1, %mul3A : i32
    "tpu.region"() ({
      %run_scoped3A_28 = tpu.sem_alloc : memref<!tpu.dma_semaphore, #tpu.memory_space<semaphore_mem>>
      %dma_start3A_29 = arith.constant 0 : i32
      %dma_start3A_30 = tpu.memref_slice %arg10[%mul3A_0, %dma_start3A_29] : memref<10240x128xf32, #tpu.memory_space<vmem_shared>> -> memref<640x128xf32, #tpu.memory_space<vmem_shared>>
      tpu.enqueue_dma source(%arg5 : memref<640x128xf32, #tpu.memory_space<hbm>>) target(%dma_start3A_30 : memref<640x128xf32, #tpu.memory_space<vmem_shared>>) target_semaphore(%run_scoped3A_28 : memref<!tpu.dma_semaphore, #tpu.memory_space<semaphore_mem>>)
      %dma_wait3A = arith.constant 0 : i32
      %dma_wait3A_31 = tpu.memref_slice %arg10[%mul3A_0, %dma_wait3A] : memref<10240x128xf32, #tpu.memory_space<vmem_shared>> -> memref<640x128xf32, #tpu.memory_space<vmem_shared>>
      tpu.wait_dma2 semaphore(%run_scoped3A_28 : memref<!tpu.dma_semaphore, #tpu.memory_space<semaphore_mem>>) src(%arg5 : memref<640x128xf32, #tpu.memory_space<hbm>>) dst(%dma_wait3A_31 : memref<640x128xf32, #tpu.memory_space<vmem_shared>>)
      tpu.yield
    }) : () -> ()
    %mul3A_1 = arith.constant 16 : i32
    %mul3A_2 = arith.muli %arg0, %mul3A_1 : i32
    %add3A = arith.addi %mul3A_2, %arg1 : i32
    %mul3A_3 = arith.constant 80 : i32
    %mul3A_4 = arith.muli %add3A, %mul3A_3 : i32
    "tpu.region"() ({
      %run_scoped3A_28 = tpu.sem_alloc : memref<!tpu.dma_semaphore, #tpu.memory_space<semaphore_mem>>
      %dma_start3A_29 = arith.constant 0 : i32
      %dma_start3A_30 = tpu.memref_slice %arg3[%mul3A_4, %dma_start3A_29] : memref<2560x128xi32, #tpu.memory_space<hbm>> -> memref<80x128xi32, #tpu.memory_space<hbm>>
      %dma_start3A_31 = arith.constant 0 : i32
      %dma_start3A_32 = tpu.memref_slice %arg3[%mul3A_4, %dma_start3A_31] : memref<2560x128xi32, #tpu.memory_space<hbm>> -> memref<80x128xi32, #tpu.memory_space<hbm>>
      tpu.enqueue_dma source(%dma_start3A_32 : memref<80x128xi32, #tpu.memory_space<hbm>>) target(%arg7 : memref<80x128xi32, #tpu.memory_space<vmem>>) target_semaphore(%run_scoped3A_28 : memref<!tpu.dma_semaphore, #tpu.memory_space<semaphore_mem>>)
      %dma_wait3A = arith.constant 0 : i32
      %dma_wait3A_33 = tpu.memref_slice %arg3[%mul3A_4, %dma_wait3A] : memref<2560x128xi32, #tpu.memory_space<hbm>> -> memref<80x128xi32, #tpu.memory_space<hbm>>
      %dma_wait3A_34 = arith.constant 0 : i32
      %dma_wait3A_35 = tpu.memref_slice %arg3[%mul3A_4, %dma_wait3A_34] : memref<2560x128xi32, #tpu.memory_space<hbm>> -> memref<80x128xi32, #tpu.memory_space<hbm>>
      tpu.wait_dma2 semaphore(%run_scoped3A_28 : memref<!tpu.dma_semaphore, #tpu.memory_space<semaphore_mem>>) src(%dma_wait3A_35 : memref<80x128xi32, #tpu.memory_space<hbm>>) dst(%arg7 : memref<80x128xi32, #tpu.memory_space<vmem>>)
      tpu.yield
    }) : () -> ()
    %run_scoped3A = arith.constant 0 : i32
    "tpu.region"() ({
      %run_scoped3A_28 = tpu.sem_alloc : memref<!tpu.dma_semaphore, #tpu.memory_space<semaphore_mem>>
      %dma_start3A_29 = arith.constant 0 : i32
      %dma_start3A_30 = tpu.memref_slice %arg8[%run_scoped3A, %dma_start3A_29] : memref<2x128xi32, #tpu.memory_space<vmem>> -> memref<1x128xi32, #tpu.memory_space<vmem>>
      %dma_start3A_31 = tpu.memref_squeeze %dma_start3A_30 : memref<1x128xi32, #tpu.memory_space<vmem>> -> memref<128xi32, #tpu.memory_space<vmem>>
      %dma_start3A_32 = arith.constant 0 : i32
      %dma_start3A_33 = tpu.memref_slice %arg4[%mul3A_4, %dma_start3A_32] : memref<2560x128xi32, #tpu.memory_space<hbm>> -> memref<1x128xi32, #tpu.memory_space<hbm>>
      %dma_start3A_34 = tpu.memref_squeeze %dma_start3A_33 : memref<1x128xi32, #tpu.memory_space<hbm>> -> memref<128xi32, #tpu.memory_space<hbm>>
      %dma_start3A_35 = arith.constant 0 : i32
      %dma_start3A_36 = tpu.memref_slice %arg8[%run_scoped3A, %dma_start3A_35] : memref<2x128xi32, #tpu.memory_space<vmem>> -> memref<1x128xi32, #tpu.memory_space<vmem>>
      %dma_start3A_37 = tpu.memref_squeeze %dma_start3A_36 : memref<1x128xi32, #tpu.memory_space<vmem>> -> memref<128xi32, #tpu.memory_space<vmem>>
      %dma_start3A_38 = arith.constant 0 : i32
      %dma_start3A_39 = tpu.memref_slice %arg4[%mul3A_4, %dma_start3A_38] : memref<2560x128xi32, #tpu.memory_space<hbm>> -> memref<1x128xi32, #tpu.memory_space<hbm>>
      %dma_start3A_40 = tpu.memref_squeeze %dma_start3A_39 : memref<1x128xi32, #tpu.memory_space<hbm>> -> memref<128xi32, #tpu.memory_space<hbm>>
      tpu.enqueue_dma source(%dma_start3A_40 : memref<128xi32, #tpu.memory_space<hbm>>) target(%dma_start3A_37 : memref<128xi32, #tpu.memory_space<vmem>>) target_semaphore(%run_scoped3A_28 : memref<!tpu.dma_semaphore, #tpu.memory_space<semaphore_mem>>)
      %dma_wait3A = arith.constant 0 : i32
      %dma_wait3A_41 = tpu.memref_slice %arg8[%run_scoped3A, %dma_wait3A] : memref<2x128xi32, #tpu.memory_space<vmem>> -> memref<1x128xi32, #tpu.memory_space<vmem>>
      %dma_wait3A_42 = tpu.memref_squeeze %dma_wait3A_41 : memref<1x128xi32, #tpu.memory_space<vmem>> -> memref<128xi32, #tpu.memory_space<vmem>>
      %dma_wait3A_43 = arith.constant 0 : i32
      %dma_wait3A_44 = tpu.memref_slice %arg4[%mul3A_4, %dma_wait3A_43] : memref<2560x128xi32, #tpu.memory_space<hbm>> -> memref<1x128xi32, #tpu.memory_space<hbm>>
      %dma_wait3A_45 = tpu.memref_squeeze %dma_wait3A_44 : memref<1x128xi32, #tpu.memory_space<hbm>> -> memref<128xi32, #tpu.memory_space<hbm>>
      %dma_wait3A_46 = arith.constant 0 : i32
      %dma_wait3A_47 = tpu.memref_slice %arg8[%run_scoped3A, %dma_wait3A_46] : memref<2x128xi32, #tpu.memory_space<vmem>> -> memref<1x128xi32, #tpu.memory_space<vmem>>
      %dma_wait3A_48 = tpu.memref_squeeze %dma_wait3A_47 : memref<1x128xi32, #tpu.memory_space<vmem>> -> memref<128xi32, #tpu.memory_space<vmem>>
      %dma_wait3A_49 = arith.constant 0 : i32
      %dma_wait3A_50 = tpu.memref_slice %arg4[%mul3A_4, %dma_wait3A_49] : memref<2560x128xi32, #tpu.memory_space<hbm>> -> memref<1x128xi32, #tpu.memory_space<hbm>>
      %dma_wait3A_51 = tpu.memref_squeeze %dma_wait3A_50 : memref<1x128xi32, #tpu.memory_space<hbm>> -> memref<128xi32, #tpu.memory_space<hbm>>
      tpu.wait_dma2 semaphore(%run_scoped3A_28 : memref<!tpu.dma_semaphore, #tpu.memory_space<semaphore_mem>>) src(%dma_wait3A_51 : memref<128xi32, #tpu.memory_space<hbm>>) dst(%dma_wait3A_48 : memref<128xi32, #tpu.memory_space<vmem>>)
      tpu.yield
    }) : () -> ()
    %barrier3A = arith.constant 0 : index
    tpu.barrier barrier_id(%barrier3A)
    %dma_start3A = arith.constant 0 : i32
    %dma_start3A_5 = arith.constant 0 : i32
    %dma_start3A_6 = arith.constant 0 : i32
    %dma_start3A_7 = arith.constant 0 : i32
    %dma_start3A_8 = tpu.memref_slice %arg9[%dma_start3A_5, %dma_start3A_6, %dma_start3A_7] : memref<2x128x128xf32, #tpu.memory_space<vmem>> -> memref<1x128x128xf32, #tpu.memory_space<vmem>>
    %dma_start3A_9 = tpu.memref_squeeze %dma_start3A_8 : memref<1x128x128xf32, #tpu.memory_space<vmem>> -> memref<128x128xf32, #tpu.memory_space<vmem>>
    %dma_start3A_10 = arith.constant 0 : i32
    %dma_start3A_11 = tpu.memref_slice %arg7[%dma_start3A, %dma_start3A_10] : memref<80x128xi32, #tpu.memory_space<vmem>> -> memref<1x128xi32, #tpu.memory_space<vmem>>
    %dma_start3A_12 = tpu.memref_squeeze %dma_start3A_11 : memref<1x128xi32, #tpu.memory_space<vmem>> -> memref<128xi32, #tpu.memory_space<vmem>>
    %dma_start3A_13 = arith.constant 0 : i32
    %dma_start3A_14 = arith.constant 0 : i32
    %dma_start3A_15 = tpu.memref_slice %arg2[%dma_start3A_13, %dma_start3A_14] : memref<10240x128xf32, #tpu.memory_space<hbm>> -> memref<10240x128xf32, #tpu.memory_space<hbm>>
    tpu.enqueue_indirect_dma source(%dma_start3A_15 : memref<10240x128xf32, #tpu.memory_space<hbm>>) target(%dma_start3A_9 : memref<128x128xf32, #tpu.memory_space<vmem>>) offsets(%dma_start3A_12 : memref<128xi32, #tpu.memory_space<vmem>>) semaphore(%arg11 : memref<!tpu.dma_semaphore, #tpu.memory_space<semaphore_mem>>)
    %scan3A = arith.constant 0 : i32
    %scan3A_16 = arith.constant 40 : i32
    %scan3A_17 = arith.addi %scan3A, %scan3A_16 : i32
    %scan3A_18 = arith.constant 1 : i32
    scf.for %scan3A_28 = %scan3A to %scan3A_17 step %scan3A_18  : i32 {
      %mul3A_29 = arith.constant 2 : i32
      %mul3A_30 = arith.muli %scan3A_28, %mul3A_29 : i32
      %add3A_31 = arith.constant 0 : i32
      %add3A_32 = arith.addi %add3A_31, %mul3A_30 : i32
      %add3A_33 = arith.constant 0 : i32
      %add3A_34 = arith.addi %add3A_32, %add3A_33 : i32
      %add3A_35 = arith.constant 1 : i32
      %add3A_36 = arith.addi %add3A_34, %add3A_35 : i32
      %lt3A = arith.constant 80 : i32
      %lt3A_37 = arith.cmpi slt, %add3A_36, %lt3A : i32
      %convert_element_type3A = arith.extui %lt3A_37 : i1 to i32
      %cond3A = arith.constant 0 : i32
      %cond3A_38 = arith.cmpi ne, %convert_element_type3A, %cond3A : i32
      scf.if %cond3A_38 {
        %add3A_94 = arith.addi %mul3A_4, %add3A_36 : i32
        %dma_start3A_95 = arith.constant 1 : i32
        %dma_start3A_96 = arith.constant 0 : i32
        %dma_start3A_97 = tpu.memref_slice %arg8[%dma_start3A_95, %dma_start3A_96] : memref<2x128xi32, #tpu.memory_space<vmem>> -> memref<1x128xi32, #tpu.memory_space<vmem>>
        %dma_start3A_98 = tpu.memref_squeeze %dma_start3A_97 : memref<1x128xi32, #tpu.memory_space<vmem>> -> memref<128xi32, #tpu.memory_space<vmem>>
        %dma_start3A_99 = arith.constant 0 : i32
        %dma_start3A_100 = tpu.memref_slice %arg4[%add3A_94, %dma_start3A_99] : memref<2560x128xi32, #tpu.memory_space<hbm>> -> memref<1x128xi32, #tpu.memory_space<hbm>>
        %dma_start3A_101 = tpu.memref_squeeze %dma_start3A_100 : memref<1x128xi32, #tpu.memory_space<hbm>> -> memref<128xi32, #tpu.memory_space<hbm>>
        %dma_start3A_102 = arith.constant 0 : i32
        %dma_start3A_103 = tpu.memref_slice %arg8[%dma_start3A_95, %dma_start3A_102] : memref<2x128xi32, #tpu.memory_space<vmem>> -> memref<1x128xi32, #tpu.memory_space<vmem>>
        %dma_start3A_104 = tpu.memref_squeeze %dma_start3A_103 : memref<1x128xi32, #tpu.memory_space<vmem>> -> memref<128xi32, #tpu.memory_space<vmem>>
        %dma_start3A_105 = arith.constant 0 : i32
        %dma_start3A_106 = tpu.memref_slice %arg4[%add3A_94, %dma_start3A_105] : memref<2560x128xi32, #tpu.memory_space<hbm>> -> memref<1x128xi32, #tpu.memory_space<hbm>>
        %dma_start3A_107 = tpu.memref_squeeze %dma_start3A_106 : memref<1x128xi32, #tpu.memory_space<hbm>> -> memref<128xi32, #tpu.memory_space<hbm>>
        tpu.enqueue_dma source(%dma_start3A_107 : memref<128xi32, #tpu.memory_space<hbm>>) target(%dma_start3A_104 : memref<128xi32, #tpu.memory_space<vmem>>) target_semaphore(%arg14 : memref<!tpu.dma_semaphore, #tpu.memory_space<semaphore_mem>>)
        %dma_start3A_108 = arith.constant 1 : i32
        %dma_start3A_109 = arith.constant 0 : i32
        %dma_start3A_110 = arith.constant 0 : i32
        %dma_start3A_111 = tpu.memref_slice %arg9[%dma_start3A_108, %dma_start3A_109, %dma_start3A_110] : memref<2x128x128xf32, #tpu.memory_space<vmem>> -> memref<1x128x128xf32, #tpu.memory_space<vmem>>
        %dma_start3A_112 = tpu.memref_squeeze %dma_start3A_111 : memref<1x128x128xf32, #tpu.memory_space<vmem>> -> memref<128x128xf32, #tpu.memory_space<vmem>>
        %dma_start3A_113 = arith.constant 0 : i32
        %dma_start3A_114 = tpu.memref_slice %arg7[%add3A_36, %dma_start3A_113] : memref<80x128xi32, #tpu.memory_space<vmem>> -> memref<1x128xi32, #tpu.memory_space<vmem>>
        %dma_start3A_115 = tpu.memref_squeeze %dma_start3A_114 : memref<1x128xi32, #tpu.memory_space<vmem>> -> memref<128xi32, #tpu.memory_space<vmem>>
        %dma_start3A_116 = arith.constant 0 : i32
        %dma_start3A_117 = arith.constant 0 : i32
        %dma_start3A_118 = tpu.memref_slice %arg2[%dma_start3A_116, %dma_start3A_117] : memref<10240x128xf32, #tpu.memory_space<hbm>> -> memref<10240x128xf32, #tpu.memory_space<hbm>>
        tpu.enqueue_indirect_dma source(%dma_start3A_118 : memref<10240x128xf32, #tpu.memory_space<hbm>>) target(%dma_start3A_112 : memref<128x128xf32, #tpu.memory_space<vmem>>) offsets(%dma_start3A_115 : memref<128xi32, #tpu.memory_space<vmem>>) semaphore(%arg12 : memref<!tpu.dma_semaphore, #tpu.memory_space<semaphore_mem>>)
      } else {
      }
      %add3A_39 = arith.constant 0 : i32
      %add3A_40 = arith.addi %add3A_32, %add3A_39 : i32
      %gt3A = arith.constant 0 : i32
      %gt3A_41 = arith.cmpi sgt, %add3A_40, %gt3A : i32
      %convert_element_type3A_42 = arith.extui %gt3A_41 : i1 to i32
      %cond3A_43 = arith.constant 0 : i32
      %cond3A_44 = arith.cmpi ne, %convert_element_type3A_42, %cond3A_43 : i32
      scf.if %cond3A_44 {
        %dma_wait3A_94 = arith.constant 0 : i32
        %dma_wait3A_95 = arith.constant 0 : i32
        %dma_wait3A_96 = tpu.memref_slice %arg8[%dma_wait3A_94, %dma_wait3A_95] : memref<2x128xi32, #tpu.memory_space<vmem>> -> memref<1x128xi32, #tpu.memory_space<vmem>>
        %dma_wait3A_97 = tpu.memref_squeeze %dma_wait3A_96 : memref<1x128xi32, #tpu.memory_space<vmem>> -> memref<128xi32, #tpu.memory_space<vmem>>
        %dma_wait3A_98 = arith.constant 0 : i32
        %dma_wait3A_99 = tpu.memref_slice %arg4[%mul3A_4, %dma_wait3A_98] : memref<2560x128xi32, #tpu.memory_space<hbm>> -> memref<1x128xi32, #tpu.memory_space<hbm>>
        %dma_wait3A_100 = tpu.memref_squeeze %dma_wait3A_99 : memref<1x128xi32, #tpu.memory_space<hbm>> -> memref<128xi32, #tpu.memory_space<hbm>>
        %dma_wait3A_101 = arith.constant 0 : i32
        %dma_wait3A_102 = tpu.memref_slice %arg8[%dma_wait3A_94, %dma_wait3A_101] : memref<2x128xi32, #tpu.memory_space<vmem>> -> memref<1x128xi32, #tpu.memory_space<vmem>>
        %dma_wait3A_103 = tpu.memref_squeeze %dma_wait3A_102 : memref<1x128xi32, #tpu.memory_space<vmem>> -> memref<128xi32, #tpu.memory_space<vmem>>
        %dma_wait3A_104 = arith.constant 0 : i32
        %dma_wait3A_105 = tpu.memref_slice %arg4[%mul3A_4, %dma_wait3A_104] : memref<2560x128xi32, #tpu.memory_space<hbm>> -> memref<1x128xi32, #tpu.memory_space<hbm>>
        %dma_wait3A_106 = tpu.memref_squeeze %dma_wait3A_105 : memref<1x128xi32, #tpu.memory_space<hbm>> -> memref<128xi32, #tpu.memory_space<hbm>>
        tpu.wait_dma2 semaphore(%arg13 : memref<!tpu.dma_semaphore, #tpu.memory_space<semaphore_mem>>) src(%dma_wait3A_106 : memref<128xi32, #tpu.memory_space<hbm>>) dst(%dma_wait3A_103 : memref<128xi32, #tpu.memory_space<vmem>>)
      } else {
      }
      %dma_wait3A = arith.constant 0 : i32
      %dma_wait3A_45 = arith.constant 0 : i32
      %dma_wait3A_46 = arith.constant 0 : i32
      %dma_wait3A_47 = tpu.memref_slice %arg9[%dma_wait3A, %dma_wait3A_45, %dma_wait3A_46] : memref<2x128x128xf32, #tpu.memory_space<vmem>> -> memref<1x128x128xf32, #tpu.memory_space<vmem>>
      %dma_wait3A_48 = tpu.memref_squeeze %dma_wait3A_47 : memref<1x128x128xf32, #tpu.memory_space<vmem>> -> memref<128x128xf32, #tpu.memory_space<vmem>>
      %dma_wait3A_49 = arith.constant 0 : i32
      %dma_wait3A_50 = arith.constant 0 : i32
      %dma_wait3A_51 = tpu.memref_slice %arg2[%dma_wait3A_49, %dma_wait3A_50] : memref<10240x128xf32, #tpu.memory_space<hbm>> -> memref<128x128xf32, #tpu.memory_space<hbm>>
      %dma_wait3A_52 = arith.constant 0 : i32
      %dma_wait3A_53 = arith.constant 0 : i32
      %dma_wait3A_54 = tpu.memref_slice %arg9[%dma_wait3A, %dma_wait3A_52, %dma_wait3A_53] : memref<2x128x128xf32, #tpu.memory_space<vmem>> -> memref<1x128x128xf32, #tpu.memory_space<vmem>>
      %dma_wait3A_55 = tpu.memref_squeeze %dma_wait3A_54 : memref<1x128x128xf32, #tpu.memory_space<vmem>> -> memref<128x128xf32, #tpu.memory_space<vmem>>
      %dma_wait3A_56 = arith.constant 0 : i32
      %dma_wait3A_57 = arith.constant 0 : i32
      %dma_wait3A_58 = tpu.memref_slice %arg2[%dma_wait3A_56, %dma_wait3A_57] : memref<10240x128xf32, #tpu.memory_space<hbm>> -> memref<128x128xf32, #tpu.memory_space<hbm>>
      tpu.wait_dma2 semaphore(%arg11 : memref<!tpu.dma_semaphore, #tpu.memory_space<semaphore_mem>>) src(%dma_wait3A_58 : memref<128x128xf32, #tpu.memory_space<hbm>>) dst(%dma_wait3A_55 : memref<128x128xf32, #tpu.memory_space<vmem>>)
      %run_scoped3A_59 = arith.constant 0 : i32
      %run_scoped3A_60 = arith.constant 0 : i32
      "tpu.region"() ({
        %run_scoped3A_94 = tpu.sem_alloc : memref<!tpu.dma_semaphore, #tpu.memory_space<semaphore_mem>>
        %dma_start3A_95 = arith.constant 0 : i32
        %dma_start3A_96 = arith.constant 0 : i32
        %dma_start3A_97 = tpu.memref_slice %arg9[%run_scoped3A_59, %dma_start3A_95, %dma_start3A_96] : memref<2x128x128xf32, #tpu.memory_space<vmem>> -> memref<1x128x128xf32, #tpu.memory_space<vmem>>
        %dma_start3A_98 = tpu.memref_squeeze %dma_start3A_97 : memref<1x128x128xf32, #tpu.memory_space<vmem>> -> memref<128x128xf32, #tpu.memory_space<vmem>>
        %dma_start3A_99 = arith.constant 0 : i32
        %dma_start3A_100 = tpu.memref_slice %arg8[%run_scoped3A_60, %dma_start3A_99] : memref<2x128xi32, #tpu.memory_space<vmem>> -> memref<1x128xi32, #tpu.memory_space<vmem>>
        %dma_start3A_101 = tpu.memref_squeeze %dma_start3A_100 : memref<1x128xi32, #tpu.memory_space<vmem>> -> memref<128xi32, #tpu.memory_space<vmem>>
        %dma_start3A_102 = arith.constant 0 : i32
        %dma_start3A_103 = arith.constant 0 : i32
        %dma_start3A_104 = tpu.memref_slice %arg10[%dma_start3A_102, %dma_start3A_103] : memref<10240x128xf32, #tpu.memory_space<vmem_shared>> -> memref<10240x128xf32, #tpu.memory_space<vmem_shared>>
        tpu.enqueue_indirect_dma source(%dma_start3A_98 : memref<128x128xf32, #tpu.memory_space<vmem>>) target(%dma_start3A_104 : memref<10240x128xf32, #tpu.memory_space<vmem_shared>>) offsets(%dma_start3A_101 : memref<128xi32, #tpu.memory_space<vmem>>) semaphore(%run_scoped3A_94 : memref<!tpu.dma_semaphore, #tpu.memory_space<semaphore_mem>>) {add = true}
        %dma_wait3A_105 = arith.constant 0 : i32
        %dma_wait3A_106 = arith.constant 0 : i32
        %dma_wait3A_107 = tpu.memref_slice %arg9[%run_scoped3A_59, %dma_wait3A_105, %dma_wait3A_106] : memref<2x128x128xf32, #tpu.memory_space<vmem>> -> memref<1x128x128xf32, #tpu.memory_space<vmem>>
        %dma_wait3A_108 = tpu.memref_squeeze %dma_wait3A_107 : memref<1x128x128xf32, #tpu.memory_space<vmem>> -> memref<128x128xf32, #tpu.memory_space<vmem>>
        %dma_wait3A_109 = arith.constant 0 : i32
        %dma_wait3A_110 = tpu.memref_slice %arg8[%run_scoped3A_60, %dma_wait3A_109] : memref<2x128xi32, #tpu.memory_space<vmem>> -> memref<1x128xi32, #tpu.memory_space<vmem>>
        %dma_wait3A_111 = tpu.memref_squeeze %dma_wait3A_110 : memref<1x128xi32, #tpu.memory_space<vmem>> -> memref<128xi32, #tpu.memory_space<vmem>>
        %dma_wait3A_112 = arith.constant 0 : i32
        %dma_wait3A_113 = arith.constant 0 : i32
        %dma_wait3A_114 = tpu.memref_slice %arg10[%dma_wait3A_112, %dma_wait3A_113] : memref<10240x128xf32, #tpu.memory_space<vmem_shared>> -> memref<10240x128xf32, #tpu.memory_space<vmem_shared>>
        tpu.wait_indirect_dma semaphore(%run_scoped3A_94 : memref<!tpu.dma_semaphore, #tpu.memory_space<semaphore_mem>>) src(%dma_wait3A_108 : memref<128x128xf32, #tpu.memory_space<vmem>>) dst(%dma_wait3A_114 : memref<10240x128xf32, #tpu.memory_space<vmem_shared>>)
        tpu.yield
      }) : () -> ()
      %add3A_61 = arith.constant 1 : i32
      %add3A_62 = arith.addi %add3A_32, %add3A_61 : i32
      %add3A_63 = arith.constant 1 : i32
      %add3A_64 = arith.addi %add3A_62, %add3A_63 : i32
      %lt3A_65 = arith.constant 80 : i32
      %lt3A_66 = arith.cmpi slt, %add3A_64, %lt3A_65 : i32
      %convert_element_type3A_67 = arith.extui %lt3A_66 : i1 to i32
      %cond3A_68 = arith.constant 0 : i32
      %cond3A_69 = arith.cmpi ne, %convert_element_type3A_67, %cond3A_68 : i32
      scf.if %cond3A_69 {
        %add3A_94 = arith.addi %mul3A_4, %add3A_64 : i32
        %dma_start3A_95 = arith.constant 0 : i32
        %dma_start3A_96 = arith.constant 0 : i32
        %dma_start3A_97 = tpu.memref_slice %arg8[%dma_start3A_95, %dma_start3A_96] : memref<2x128xi32, #tpu.memory_space<vmem>> -> memref<1x128xi32, #tpu.memory_space<vmem>>
        %dma_start3A_98 = tpu.memref_squeeze %dma_start3A_97 : memref<1x128xi32, #tpu.memory_space<vmem>> -> memref<128xi32, #tpu.memory_space<vmem>>
        %dma_start3A_99 = arith.constant 0 : i32
        %dma_start3A_100 = tpu.memref_slice %arg4[%add3A_94, %dma_start3A_99] : memref<2560x128xi32, #tpu.memory_space<hbm>> -> memref<1x128xi32, #tpu.memory_space<hbm>>
        %dma_start3A_101 = tpu.memref_squeeze %dma_start3A_100 : memref<1x128xi32, #tpu.memory_space<hbm>> -> memref<128xi32, #tpu.memory_space<hbm>>
        %dma_start3A_102 = arith.constant 0 : i32
        %dma_start3A_103 = tpu.memref_slice %arg8[%dma_start3A_95, %dma_start3A_102] : memref<2x128xi32, #tpu.memory_space<vmem>> -> memref<1x128xi32, #tpu.memory_space<vmem>>
        %dma_start3A_104 = tpu.memref_squeeze %dma_start3A_103 : memref<1x128xi32, #tpu.memory_space<vmem>> -> memref<128xi32, #tpu.memory_space<vmem>>
        %dma_start3A_105 = arith.constant 0 : i32
        %dma_start3A_106 = tpu.memref_slice %arg4[%add3A_94, %dma_start3A_105] : memref<2560x128xi32, #tpu.memory_space<hbm>> -> memref<1x128xi32, #tpu.memory_space<hbm>>
        %dma_start3A_107 = tpu.memref_squeeze %dma_start3A_106 : memref<1x128xi32, #tpu.memory_space<hbm>> -> memref<128xi32, #tpu.memory_space<hbm>>
        tpu.enqueue_dma source(%dma_start3A_107 : memref<128xi32, #tpu.memory_space<hbm>>) target(%dma_start3A_104 : memref<128xi32, #tpu.memory_space<vmem>>) target_semaphore(%arg13 : memref<!tpu.dma_semaphore, #tpu.memory_space<semaphore_mem>>)
        %dma_start3A_108 = arith.constant 0 : i32
        %dma_start3A_109 = arith.constant 0 : i32
        %dma_start3A_110 = arith.constant 0 : i32
        %dma_start3A_111 = tpu.memref_slice %arg9[%dma_start3A_108, %dma_start3A_109, %dma_start3A_110] : memref<2x128x128xf32, #tpu.memory_space<vmem>> -> memref<1x128x128xf32, #tpu.memory_space<vmem>>
        %dma_start3A_112 = tpu.memref_squeeze %dma_start3A_111 : memref<1x128x128xf32, #tpu.memory_space<vmem>> -> memref<128x128xf32, #tpu.memory_space<vmem>>
        %dma_start3A_113 = arith.constant 0 : i32
        %dma_start3A_114 = tpu.memref_slice %arg7[%add3A_64, %dma_start3A_113] : memref<80x128xi32, #tpu.memory_space<vmem>> -> memref<1x128xi32, #tpu.memory_space<vmem>>
        %dma_start3A_115 = tpu.memref_squeeze %dma_start3A_114 : memref<1x128xi32, #tpu.memory_space<vmem>> -> memref<128xi32, #tpu.memory_space<vmem>>
        %dma_start3A_116 = arith.constant 0 : i32
        %dma_start3A_117 = arith.constant 0 : i32
        %dma_start3A_118 = tpu.memref_slice %arg2[%dma_start3A_116, %dma_start3A_117] : memref<10240x128xf32, #tpu.memory_space<hbm>> -> memref<10240x128xf32, #tpu.memory_space<hbm>>
        tpu.enqueue_indirect_dma source(%dma_start3A_118 : memref<10240x128xf32, #tpu.memory_space<hbm>>) target(%dma_start3A_112 : memref<128x128xf32, #tpu.memory_space<vmem>>) offsets(%dma_start3A_115 : memref<128xi32, #tpu.memory_space<vmem>>) semaphore(%arg11 : memref<!tpu.dma_semaphore, #tpu.memory_space<semaphore_mem>>)
      } else {
      }
      %add3A_70 = arith.constant 1 : i32
      %add3A_71 = arith.addi %add3A_32, %add3A_70 : i32
      %gt3A_72 = arith.constant 0 : i32
      %gt3A_73 = arith.cmpi sgt, %add3A_71, %gt3A_72 : i32
      %convert_element_type3A_74 = arith.extui %gt3A_73 : i1 to i32
      %cond3A_75 = arith.constant 0 : i32
      %cond3A_76 = arith.cmpi ne, %convert_element_type3A_74, %cond3A_75 : i32
      scf.if %cond3A_76 {
        %dma_wait3A_94 = arith.constant 1 : i32
        %dma_wait3A_95 = arith.constant 0 : i32
        %dma_wait3A_96 = tpu.memref_slice %arg8[%dma_wait3A_94, %dma_wait3A_95] : memref<2x128xi32, #tpu.memory_space<vmem>> -> memref<1x128xi32, #tpu.memory_space<vmem>>
        %dma_wait3A_97 = tpu.memref_squeeze %dma_wait3A_96 : memref<1x128xi32, #tpu.memory_space<vmem>> -> memref<128xi32, #tpu.memory_space<vmem>>
        %dma_wait3A_98 = arith.constant 0 : i32
        %dma_wait3A_99 = tpu.memref_slice %arg4[%mul3A_4, %dma_wait3A_98] : memref<2560x128xi32, #tpu.memory_space<hbm>> -> memref<1x128xi32, #tpu.memory_space<hbm>>
        %dma_wait3A_100 = tpu.memref_squeeze %dma_wait3A_99 : memref<1x128xi32, #tpu.memory_space<hbm>> -> memref<128xi32, #tpu.memory_space<hbm>>
        %dma_wait3A_101 = arith.constant 0 : i32
        %dma_wait3A_102 = tpu.memref_slice %arg8[%dma_wait3A_94, %dma_wait3A_101] : memref<2x128xi32, #tpu.memory_space<vmem>> -> memref<1x128xi32, #tpu.memory_space<vmem>>
        %dma_wait3A_103 = tpu.memref_squeeze %dma_wait3A_102 : memref<1x128xi32, #tpu.memory_space<vmem>> -> memref<128xi32, #tpu.memory_space<vmem>>
        %dma_wait3A_104 = arith.constant 0 : i32
        %dma_wait3A_105 = tpu.memref_slice %arg4[%mul3A_4, %dma_wait3A_104] : memref<2560x128xi32, #tpu.memory_space<hbm>> -> memref<1x128xi32, #tpu.memory_space<hbm>>
        %dma_wait3A_106 = tpu.memref_squeeze %dma_wait3A_105 : memref<1x128xi32, #tpu.memory_space<hbm>> -> memref<128xi32, #tpu.memory_space<hbm>>
        tpu.wait_dma2 semaphore(%arg14 : memref<!tpu.dma_semaphore, #tpu.memory_space<semaphore_mem>>) src(%dma_wait3A_106 : memref<128xi32, #tpu.memory_space<hbm>>) dst(%dma_wait3A_103 : memref<128xi32, #tpu.memory_space<vmem>>)
      } else {
      }
      %dma_wait3A_77 = arith.constant 1 : i32
      %dma_wait3A_78 = arith.constant 0 : i32
      %dma_wait3A_79 = arith.constant 0 : i32
      %dma_wait3A_80 = tpu.memref_slice %arg9[%dma_wait3A_77, %dma_wait3A_78, %dma_wait3A_79] : memref<2x128x128xf32, #tpu.memory_space<vmem>> -> memref<1x128x128xf32, #tpu.memory_space<vmem>>
      %dma_wait3A_81 = tpu.memref_squeeze %dma_wait3A_80 : memref<1x128x128xf32, #tpu.memory_space<vmem>> -> memref<128x128xf32, #tpu.memory_space<vmem>>
      %dma_wait3A_82 = arith.constant 0 : i32
      %dma_wait3A_83 = arith.constant 0 : i32
      %dma_wait3A_84 = tpu.memref_slice %arg2[%dma_wait3A_82, %dma_wait3A_83] : memref<10240x128xf32, #tpu.memory_space<hbm>> -> memref<128x128xf32, #tpu.memory_space<hbm>>
      %dma_wait3A_85 = arith.constant 0 : i32
      %dma_wait3A_86 = arith.constant 0 : i32
      %dma_wait3A_87 = tpu.memref_slice %arg9[%dma_wait3A_77, %dma_wait3A_85, %dma_wait3A_86] : memref<2x128x128xf32, #tpu.memory_space<vmem>> -> memref<1x128x128xf32, #tpu.memory_space<vmem>>
      %dma_wait3A_88 = tpu.memref_squeeze %dma_wait3A_87 : memref<1x128x128xf32, #tpu.memory_space<vmem>> -> memref<128x128xf32, #tpu.memory_space<vmem>>
      %dma_wait3A_89 = arith.constant 0 : i32
      %dma_wait3A_90 = arith.constant 0 : i32
      %dma_wait3A_91 = tpu.memref_slice %arg2[%dma_wait3A_89, %dma_wait3A_90] : memref<10240x128xf32, #tpu.memory_space<hbm>> -> memref<128x128xf32, #tpu.memory_space<hbm>>
      tpu.wait_dma2 semaphore(%arg12 : memref<!tpu.dma_semaphore, #tpu.memory_space<semaphore_mem>>) src(%dma_wait3A_91 : memref<128x128xf32, #tpu.memory_space<hbm>>) dst(%dma_wait3A_88 : memref<128x128xf32, #tpu.memory_space<vmem>>)
      %run_scoped3A_92 = arith.constant 1 : i32
      %run_scoped3A_93 = arith.constant 1 : i32
      "tpu.region"() ({
        %run_scoped3A_94 = tpu.sem_alloc : memref<!tpu.dma_semaphore, #tpu.memory_space<semaphore_mem>>
        %dma_start3A_95 = arith.constant 0 : i32
        %dma_start3A_96 = arith.constant 0 : i32
        %dma_start3A_97 = tpu.memref_slice %arg9[%run_scoped3A_92, %dma_start3A_95, %dma_start3A_96] : memref<2x128x128xf32, #tpu.memory_space<vmem>> -> memref<1x128x128xf32, #tpu.memory_space<vmem>>
        %dma_start3A_98 = tpu.memref_squeeze %dma_start3A_97 : memref<1x128x128xf32, #tpu.memory_space<vmem>> -> memref<128x128xf32, #tpu.memory_space<vmem>>
        %dma_start3A_99 = arith.constant 0 : i32
        %dma_start3A_100 = tpu.memref_slice %arg8[%run_scoped3A_93, %dma_start3A_99] : memref<2x128xi32, #tpu.memory_space<vmem>> -> memref<1x128xi32, #tpu.memory_space<vmem>>
        %dma_start3A_101 = tpu.memref_squeeze %dma_start3A_100 : memref<1x128xi32, #tpu.memory_space<vmem>> -> memref<128xi32, #tpu.memory_space<vmem>>
        %dma_start3A_102 = arith.constant 0 : i32
        %dma_start3A_103 = arith.constant 0 : i32
        %dma_start3A_104 = tpu.memref_slice %arg10[%dma_start3A_102, %dma_start3A_103] : memref<10240x128xf32, #tpu.memory_space<vmem_shared>> -> memref<10240x128xf32, #tpu.memory_space<vmem_shared>>
        tpu.enqueue_indirect_dma source(%dma_start3A_98 : memref<128x128xf32, #tpu.memory_space<vmem>>) target(%dma_start3A_104 : memref<10240x128xf32, #tpu.memory_space<vmem_shared>>) offsets(%dma_start3A_101 : memref<128xi32, #tpu.memory_space<vmem>>) semaphore(%run_scoped3A_94 : memref<!tpu.dma_semaphore, #tpu.memory_space<semaphore_mem>>) {add = true}
        %dma_wait3A_105 = arith.constant 0 : i32
        %dma_wait3A_106 = arith.constant 0 : i32
        %dma_wait3A_107 = tpu.memref_slice %arg9[%run_scoped3A_92, %dma_wait3A_105, %dma_wait3A_106] : memref<2x128x128xf32, #tpu.memory_space<vmem>> -> memref<1x128x128xf32, #tpu.memory_space<vmem>>
        %dma_wait3A_108 = tpu.memref_squeeze %dma_wait3A_107 : memref<1x128x128xf32, #tpu.memory_space<vmem>> -> memref<128x128xf32, #tpu.memory_space<vmem>>
        %dma_wait3A_109 = arith.constant 0 : i32
        %dma_wait3A_110 = tpu.memref_slice %arg8[%run_scoped3A_93, %dma_wait3A_109] : memref<2x128xi32, #tpu.memory_space<vmem>> -> memref<1x128xi32, #tpu.memory_space<vmem>>
        %dma_wait3A_111 = tpu.memref_squeeze %dma_wait3A_110 : memref<1x128xi32, #tpu.memory_space<vmem>> -> memref<128xi32, #tpu.memory_space<vmem>>
        %dma_wait3A_112 = arith.constant 0 : i32
        %dma_wait3A_113 = arith.constant 0 : i32
        %dma_wait3A_114 = tpu.memref_slice %arg10[%dma_wait3A_112, %dma_wait3A_113] : memref<10240x128xf32, #tpu.memory_space<vmem_shared>> -> memref<10240x128xf32, #tpu.memory_space<vmem_shared>>
        tpu.wait_indirect_dma semaphore(%run_scoped3A_94 : memref<!tpu.dma_semaphore, #tpu.memory_space<semaphore_mem>>) src(%dma_wait3A_108 : memref<128x128xf32, #tpu.memory_space<vmem>>) dst(%dma_wait3A_114 : memref<10240x128xf32, #tpu.memory_space<vmem_shared>>)
        tpu.yield
      }) : () -> ()
    }
    %scan3A_19 = arith.constant 40 : i32
    %barrier3A_20 = arith.constant 0 : index
    tpu.barrier barrier_id(%barrier3A_20)
    %mul3A_21 = arith.constant 640 : i32
    %mul3A_22 = arith.muli %arg1, %mul3A_21 : i32
    %mul3A_23 = arith.constant 10240 : i32
    %mul3A_24 = arith.muli %arg0, %mul3A_23 : i32
    %mul3A_25 = arith.constant 640 : i32
    %mul3A_26 = arith.muli %arg1, %mul3A_25 : i32
    %add3A_27 = arith.addi %mul3A_24, %mul3A_26 : i32
    "tpu.region"() ({
      %run_scoped3A_28 = tpu.sem_alloc : memref<!tpu.dma_semaphore, #tpu.memory_space<semaphore_mem>>
      %dma_start3A_29 = arith.constant 0 : i32
      %dma_start3A_30 = tpu.memref_slice %arg6[%add3A_27, %dma_start3A_29] : memref<20480x128xf32, #tpu.memory_space<hbm>> -> memref<640x128xf32, #tpu.memory_space<hbm>>
      %dma_start3A_31 = arith.constant 0 : i32
      %dma_start3A_32 = tpu.memref_slice %arg10[%mul3A_22, %dma_start3A_31] : memref<10240x128xf32, #tpu.memory_space<vmem_shared>> -> memref<640x128xf32, #tpu.memory_space<vmem_shared>>
      tpu.enqueue_dma source(%dma_start3A_32 : memref<640x128xf32, #tpu.memory_space<vmem_shared>>) target(%dma_start3A_30 : memref<640x128xf32, #tpu.memory_space<hbm>>) target_semaphore(%run_scoped3A_28 : memref<!tpu.dma_semaphore, #tpu.memory_space<semaphore_mem>>)
      %dma_wait3A = arith.constant 0 : i32
      %dma_wait3A_33 = tpu.memref_slice %arg6[%add3A_27, %dma_wait3A] : memref<20480x128xf32, #tpu.memory_space<hbm>> -> memref<640x128xf32, #tpu.memory_space<hbm>>
      %dma_wait3A_34 = arith.constant 0 : i32
      %dma_wait3A_35 = tpu.memref_slice %arg10[%mul3A_22, %dma_wait3A_34] : memref<10240x128xf32, #tpu.memory_space<vmem_shared>> -> memref<640x128xf32, #tpu.memory_space<vmem_shared>>
      tpu.wait_dma2 semaphore(%run_scoped3A_28 : memref<!tpu.dma_semaphore, #tpu.memory_space<semaphore_mem>>) src(%dma_wait3A_35 : memref<640x128xf32, #tpu.memory_space<vmem_shared>>) dst(%dma_wait3A_33 : memref<640x128xf32, #tpu.memory_space<hbm>>)
      tpu.yield
    }) : () -> ()
    return
  }
}

module attributes {stable_mosaic.version = 14 : i64} {
  func.func @_prep_body(%arg0: i32, %arg1: memref<512x128xf32, #tpu.memory_space<vmem>>, %arg2: memref<128x128xf32, #tpu.memory_space<vmem>>, %arg3: memref<512x32xf32, #tpu.memory_space<vmem>>, %arg4: memref<512x128xf32, #tpu.memory_space<vmem>>) attributes {dimension_semantics = [#tpu.dimension_semantics<arbitrary>], iteration_bounds = array<i64: 20>, scalar_prefetch = 0 : i64, scratch_operands = 0 : i64, tpu.core_type = #tpu.core_type<tc>, window_params = [{transform_indices = @transform_0, window_bounds = array<i64: 512, 128>}, {pipeline_mode = #tpu.pipeline_mode<synchronous>, transform_indices = @transform_1, window_bounds = array<i64: 128, 128>}, {transform_indices = @transform_2, window_bounds = array<i64: 512, 32>}, {transform_indices = @transform_3, window_bounds = array<i64: 512, 128>}]} {
    %get3A = arith.constant 0 : index
    %get3A_0 = arith.constant 0 : index
    %get3A_1 = vector.load %arg1[%get3A, %get3A_0] : memref<512x128xf32, #tpu.memory_space<vmem>>, vector<512x128xf32>
    %get3A_2 = arith.constant 0 : index
    %get3A_3 = arith.constant 0 : index
    %get3A_4 = vector.load %arg2[%get3A_2, %get3A_3] : memref<128x128xf32, #tpu.memory_space<vmem>>, vector<128x128xf32>
    %dot_general3A = arith.constant dense<0.000000e+00> : vector<512x128xf32>
    %dot_general3A_5 = tpu.matmul %get3A_1, %get3A_4, %dot_general3A {dimension_numbers = #tpu.dot_dimension_numbers<[1], [0], [0], [1], [0, 0, 1, 1], [], []>, precision = #tpu.contract_precision<fp32>, transpose_lhs_hint = false} : vector<512x128xf32>, vector<128x128xf32>, vector<512x128xf32> -> vector<512x128xf32>
    %get3A_6 = arith.constant 0 : index
    %get3A_7 = arith.constant 0 : index
    %get3A_8 = vector.load %arg3[%get3A_6, %get3A_7] : memref<512x32xf32, #tpu.memory_space<vmem>>, vector<512x32xf32>
    %reduce_sum3A = arith.constant dense<0.000000e+00> : vector<512xf32>
    %reduce_sum3A_9 = vector.multi_reduction <add>, %get3A_8, %reduce_sum3A [1] : vector<512x32xf32> to vector<512xf32>
    %broadcast_in_dim3A = vector.shape_cast %reduce_sum3A_9 : vector<512xf32> to vector<512x1xf32>
    %add3A = arith.constant 1.000000e+00 : f32
    %add3A_10 = vector.broadcast %add3A : f32 to vector<512x1xf32>
    %add3A_11 = arith.addf %broadcast_in_dim3A, %add3A_10 : vector<512x1xf32>
    %rsqrt3A = math.rsqrt %add3A_11 : vector<512x1xf32>
    %mul3A = vector.broadcast %rsqrt3A : vector<512x1xf32> to vector<512x128xf32>
    %mul3A_12 = arith.mulf %dot_general3A_5, %mul3A : vector<512x128xf32>
    %swap3A = arith.constant 0 : index
    %swap3A_13 = arith.constant 0 : index
    %swap3A_14 = vector.load %arg4[%swap3A, %swap3A_13] : memref<512x128xf32, #tpu.memory_space<vmem>>, vector<512x128xf32>
    tpu.vector_store %arg4[%swap3A, %swap3A_13], %mul3A_12 {strides = array<i32>} : memref<512x128xf32, #tpu.memory_space<vmem>>, vector<512x128xf32>,
    return
  }
  func.func @transform_0(%arg0: i32) -> (i32, i32) {
    %c0_i32 = arith.constant 0 : i32
    %c0_i32_0 = arith.constant 0 : i32
    return %arg0, %c0_i32 : i32, i32
  }
  func.func @transform_1(%arg0: i32) -> (i32, i32) {
    %c0_i32 = arith.constant 0 : i32
    %c0_i32_0 = arith.constant 0 : i32
    %c0_i32_1 = arith.constant 0 : i32
    return %c0_i32, %c0_i32_0 : i32, i32
  }
  func.func @transform_2(%arg0: i32) -> (i32, i32) {
    %c0_i32 = arith.constant 0 : i32
    %c0_i32_0 = arith.constant 0 : i32
    return %arg0, %c0_i32 : i32, i32
  }
  func.func @transform_3(%arg0: i32) -> (i32, i32) {
    %c0_i32 = arith.constant 0 : i32
    %c0_i32_0 = arith.constant 0 : i32
    return %arg0, %c0_i32 : i32, i32
  }
}

module attributes {stable_mosaic.version = 14 : i64} {
  func.func @_mid_body(%arg0: i32, %arg1: memref<2x512x128xf32, #tpu.memory_space<vmem>>, %arg2: memref<512x128xf32, #tpu.memory_space<vmem>>, %arg3: memref<512x32xf32, #tpu.memory_space<vmem>>, %arg4: memref<1x128xf32, #tpu.memory_space<vmem>>, %arg5: memref<512x128xf32, #tpu.memory_space<vmem>>) attributes {dimension_semantics = [#tpu.dimension_semantics<arbitrary>], iteration_bounds = array<i64: 20>, scalar_prefetch = 0 : i64, scratch_operands = 0 : i64, tpu.core_type = #tpu.core_type<tc>, window_params = [{transform_indices = @transform_0, window_bounds = array<i64: 2, 512, 128>}, {transform_indices = @transform_1, window_bounds = array<i64: 512, 128>}, {transform_indices = @transform_2, window_bounds = array<i64: 512, 32>}, {pipeline_mode = #tpu.pipeline_mode<synchronous>, transform_indices = @transform_3, window_bounds = array<i64: 1, 128>}, {transform_indices = @transform_4, window_bounds = array<i64: 512, 128>}]} {
    %get3A = arith.constant 0 : index
    %get3A_0 = arith.constant 0 : index
    %get3A_1 = vector.load %arg3[%get3A, %get3A_0] : memref<512x32xf32, #tpu.memory_space<vmem>>, vector<512x32xf32>
    %reduce_sum3A = arith.constant dense<0.000000e+00> : vector<512xf32>
    %reduce_sum3A_2 = vector.multi_reduction <add>, %get3A_1, %reduce_sum3A [1] : vector<512x32xf32> to vector<512xf32>
    %broadcast_in_dim3A = vector.shape_cast %reduce_sum3A_2 : vector<512xf32> to vector<512x1xf32>
    %add3A = arith.constant 1.000000e+00 : f32
    %add3A_3 = vector.broadcast %add3A : f32 to vector<512x1xf32>
    %add3A_4 = arith.addf %broadcast_in_dim3A, %add3A_3 : vector<512x1xf32>
    %rsqrt3A = math.rsqrt %add3A_4 : vector<512x1xf32>
    %get3A_5 = arith.constant 0 : index
    %get3A_6 = arith.constant 0 : index
    %get3A_7 = arith.constant 0 : index
    %get3A_8 = vector.load %arg1[%get3A_5, %get3A_6, %get3A_7] : memref<2x512x128xf32, #tpu.memory_space<vmem>>, vector<1x512x128xf32>
    %get3A_9 = vector.shape_cast %get3A_8 : vector<1x512x128xf32> to vector<512x128xf32>
    %get3A_10 = arith.constant 1 : index
    %get3A_11 = arith.constant 0 : index
    %get3A_12 = arith.constant 0 : index
    %get3A_13 = vector.load %arg1[%get3A_10, %get3A_11, %get3A_12] : memref<2x512x128xf32, #tpu.memory_space<vmem>>, vector<1x512x128xf32>
    %get3A_14 = vector.shape_cast %get3A_13 : vector<1x512x128xf32> to vector<512x128xf32>
    %add3A_15 = arith.addf %get3A_9, %get3A_14 : vector<512x128xf32>
    %get3A_16 = arith.constant 0 : index
    %get3A_17 = arith.constant 0 : index
    %get3A_18 = vector.load %arg2[%get3A_16, %get3A_17] : memref<512x128xf32, #tpu.memory_space<vmem>>, vector<512x128xf32>
    %add3A_19 = arith.addf %add3A_15, %get3A_18 : vector<512x128xf32>
    %mul3A = vector.broadcast %rsqrt3A : vector<512x1xf32> to vector<512x128xf32>
    %mul3A_20 = arith.mulf %add3A_19, %mul3A : vector<512x128xf32>
    %get3A_21 = arith.constant 0 : index
    %get3A_22 = arith.constant 0 : index
    %get3A_23 = vector.load %arg4[%get3A_21, %get3A_22] : memref<1x128xf32, #tpu.memory_space<vmem>>, vector<1x128xf32>
    %add3A_24 = vector.broadcast %get3A_23 : vector<1x128xf32> to vector<512x128xf32>
    %add3A_25 = arith.addf %mul3A_20, %add3A_24 : vector<512x128xf32>
    %max3A = arith.constant 0.000000e+00 : f32
    %max3A_26 = vector.broadcast %max3A : f32 to vector<512x128xf32>
    %max3A_27 = arith.maximumf %add3A_25, %max3A_26 : vector<512x128xf32>
    %mul3A_28 = vector.broadcast %rsqrt3A : vector<512x1xf32> to vector<512x128xf32>
    %mul3A_29 = arith.mulf %max3A_27, %mul3A_28 : vector<512x128xf32>
    %swap3A = arith.constant 0 : index
    %swap3A_30 = arith.constant 0 : index
    %swap3A_31 = vector.load %arg5[%swap3A, %swap3A_30] : memref<512x128xf32, #tpu.memory_space<vmem>>, vector<512x128xf32>
    tpu.vector_store %arg5[%swap3A, %swap3A_30], %mul3A_29 {strides = array<i32>} : memref<512x128xf32, #tpu.memory_space<vmem>>, vector<512x128xf32>,
    return
  }
  func.func @transform_0(%arg0: i32) -> (i32, i32, i32) {
    %c0_i32 = arith.constant 0 : i32
    %c0_i32_0 = arith.constant 0 : i32
    %c0_i32_1 = arith.constant 0 : i32
    return %c0_i32, %arg0, %c0_i32_0 : i32, i32, i32
  }
  func.func @transform_1(%arg0: i32) -> (i32, i32) {
    %c0_i32 = arith.constant 0 : i32
    %c0_i32_0 = arith.constant 0 : i32
    return %arg0, %c0_i32 : i32, i32
  }
  func.func @transform_2(%arg0: i32) -> (i32, i32) {
    %c0_i32 = arith.constant 0 : i32
    %c0_i32_0 = arith.constant 0 : i32
    return %arg0, %c0_i32 : i32, i32
  }
  func.func @transform_3(%arg0: i32) -> (i32, i32) {
    %c0_i32 = arith.constant 0 : i32
    %c0_i32_0 = arith.constant 0 : i32
    %c0_i32_1 = arith.constant 0 : i32
    return %c0_i32, %c0_i32_0 : i32, i32
  }
  func.func @transform_4(%arg0: i32) -> (i32, i32) {
    %c0_i32 = arith.constant 0 : i32
    %c0_i32_0 = arith.constant 0 : i32
    return %arg0, %c0_i32 : i32, i32
  }
}

module attributes {stable_mosaic.version = 14 : i64} {
  func.func @_out_body(%arg0: i32, %arg1: memref<2x512x128xf32, #tpu.memory_space<vmem>>, %arg2: memref<512x128xf32, #tpu.memory_space<vmem>>, %arg3: memref<512x32xf32, #tpu.memory_space<vmem>>, %arg4: memref<128x64xf32, #tpu.memory_space<vmem>>, %arg5: memref<1x64xf32, #tpu.memory_space<vmem>>, %arg6: memref<128x64xf32, #tpu.memory_space<vmem>>, %arg7: memref<1x64xf32, #tpu.memory_space<vmem>>, %arg8: memref<512x64xf32, #tpu.memory_space<vmem>>, %arg9: memref<512x64xf32, #tpu.memory_space<vmem>>) attributes {dimension_semantics = [#tpu.dimension_semantics<arbitrary>], iteration_bounds = array<i64: 20>, scalar_prefetch = 0 : i64, scratch_operands = 0 : i64, tpu.core_type = #tpu.core_type<tc>, window_params = [{transform_indices = @transform_0, window_bounds = array<i64: 2, 512, 128>}, {transform_indices = @transform_1, window_bounds = array<i64: 512, 128>}, {transform_indices = @transform_2, window_bounds = array<i64: 512, 32>}, {pipeline_mode = #tpu.pipeline_mode<synchronous>, transform_indices = @transform_3, window_bounds = array<i64: 128, 64>}, {pipeline_mode = #tpu.pipeline_mode<synchronous>, transform_indices = @transform_4, window_bounds = array<i64: 1, 64>}, {pipeline_mode = #tpu.pipeline_mode<synchronous>, transform_indices = @transform_5, window_bounds = array<i64: 128, 64>}, {pipeline_mode = #tpu.pipeline_mode<synchronous>, transform_indices = @transform_6, window_bounds = array<i64: 1, 64>}, {transform_indices = @transform_7, window_bounds = array<i64: 512, 64>}, {transform_indices = @transform_8, window_bounds = array<i64: 512, 64>}]} {
    %get3A = arith.constant 0 : index
    %get3A_0 = arith.constant 0 : index
    %get3A_1 = vector.load %arg3[%get3A, %get3A_0] : memref<512x32xf32, #tpu.memory_space<vmem>>, vector<512x32xf32>
    %reduce_sum3A = arith.constant dense<0.000000e+00> : vector<512xf32>
    %reduce_sum3A_2 = vector.multi_reduction <add>, %get3A_1, %reduce_sum3A [1] : vector<512x32xf32> to vector<512xf32>
    %broadcast_in_dim3A = vector.shape_cast %reduce_sum3A_2 : vector<512xf32> to vector<512x1xf32>
    %add3A = arith.constant 1.000000e+00 : f32
    %add3A_3 = vector.broadcast %add3A : f32 to vector<512x1xf32>
    %add3A_4 = arith.addf %broadcast_in_dim3A, %add3A_3 : vector<512x1xf32>
    %rsqrt3A = math.rsqrt %add3A_4 : vector<512x1xf32>
    %get3A_5 = arith.constant 0 : index
    %get3A_6 = arith.constant 0 : index
    %get3A_7 = arith.constant 0 : index
    %get3A_8 = vector.load %arg1[%get3A_5, %get3A_6, %get3A_7] : memref<2x512x128xf32, #tpu.memory_space<vmem>>, vector<1x512x128xf32>
    %get3A_9 = vector.shape_cast %get3A_8 : vector<1x512x128xf32> to vector<512x128xf32>
    %get3A_10 = arith.constant 1 : index
    %get3A_11 = arith.constant 0 : index
    %get3A_12 = arith.constant 0 : index
    %get3A_13 = vector.load %arg1[%get3A_10, %get3A_11, %get3A_12] : memref<2x512x128xf32, #tpu.memory_space<vmem>>, vector<1x512x128xf32>
    %get3A_14 = vector.shape_cast %get3A_13 : vector<1x512x128xf32> to vector<512x128xf32>
    %add3A_15 = arith.addf %get3A_9, %get3A_14 : vector<512x128xf32>
    %get3A_16 = arith.constant 0 : index
    %get3A_17 = arith.constant 0 : index
    %get3A_18 = vector.load %arg2[%get3A_16, %get3A_17] : memref<512x128xf32, #tpu.memory_space<vmem>>, vector<512x128xf32>
    %add3A_19 = arith.addf %add3A_15, %get3A_18 : vector<512x128xf32>
    %mul3A = vector.broadcast %rsqrt3A : vector<512x1xf32> to vector<512x128xf32>
    %mul3A_20 = arith.mulf %add3A_19, %mul3A : vector<512x128xf32>
    %get3A_21 = arith.constant 0 : index
    %get3A_22 = arith.constant 0 : index
    %get3A_23 = vector.load %arg4[%get3A_21, %get3A_22] : memref<128x64xf32, #tpu.memory_space<vmem>>, vector<128x64xf32>
    %dot_general3A = arith.constant dense<0.000000e+00> : vector<512x64xf32>
    %dot_general3A_24 = tpu.matmul %mul3A_20, %get3A_23, %dot_general3A {dimension_numbers = #tpu.dot_dimension_numbers<[1], [0], [0], [1], [0, 0, 1, 1], [], []>, precision = #tpu.contract_precision<fp32>, transpose_lhs_hint = false} : vector<512x128xf32>, vector<128x64xf32>, vector<512x64xf32> -> vector<512x64xf32>
    %get3A_25 = arith.constant 0 : index
    %get3A_26 = arith.constant 0 : index
    %get3A_27 = vector.load %arg5[%get3A_25, %get3A_26] : memref<1x64xf32, #tpu.memory_space<vmem>>, vector<1x64xf32>
    %add3A_28 = vector.broadcast %get3A_27 : vector<1x64xf32> to vector<512x64xf32>
    %add3A_29 = arith.addf %dot_general3A_24, %add3A_28 : vector<512x64xf32>
    %swap3A = arith.constant 0 : index
    %swap3A_30 = arith.constant 0 : index
    %swap3A_31 = vector.load %arg8[%swap3A, %swap3A_30] : memref<512x64xf32, #tpu.memory_space<vmem>>, vector<512x64xf32>
    tpu.vector_store %arg8[%swap3A, %swap3A_30], %add3A_29 {strides = array<i32>} : memref<512x64xf32, #tpu.memory_space<vmem>>, vector<512x64xf32>,
    %get3A_32 = arith.constant 0 : index
    %get3A_33 = arith.constant 0 : index
    %get3A_34 = vector.load %arg6[%get3A_32, %get3A_33] : memref<128x64xf32, #tpu.memory_space<vmem>>, vector<128x64xf32>
    %dot_general3A_35 = arith.constant dense<0.000000e+00> : vector<512x64xf32>
    %dot_general3A_36 = tpu.matmul %mul3A_20, %get3A_34, %dot_general3A_35 {dimension_numbers = #tpu.dot_dimension_numbers<[1], [0], [0], [1], [0, 0, 1, 1], [], []>, precision = #tpu.contract_precision<fp32>, transpose_lhs_hint = false} : vector<512x128xf32>, vector<128x64xf32>, vector<512x64xf32> -> vector<512x64xf32>
    %get3A_37 = arith.constant 0 : index
    %get3A_38 = arith.constant 0 : index
    %get3A_39 = vector.load %arg7[%get3A_37, %get3A_38] : memref<1x64xf32, #tpu.memory_space<vmem>>, vector<1x64xf32>
    %add3A_40 = vector.broadcast %get3A_39 : vector<1x64xf32> to vector<512x64xf32>
    %add3A_41 = arith.addf %dot_general3A_36, %add3A_40 : vector<512x64xf32>
    %swap3A_42 = arith.constant 0 : index
    %swap3A_43 = arith.constant 0 : index
    %swap3A_44 = vector.load %arg9[%swap3A_42, %swap3A_43] : memref<512x64xf32, #tpu.memory_space<vmem>>, vector<512x64xf32>
    tpu.vector_store %arg9[%swap3A_42, %swap3A_43], %add3A_41 {strides = array<i32>} : memref<512x64xf32, #tpu.memory_space<vmem>>, vector<512x64xf32>,
    return
  }
  func.func @transform_0(%arg0: i32) -> (i32, i32, i32) {
    %c0_i32 = arith.constant 0 : i32
    %c0_i32_0 = arith.constant 0 : i32
    %c0_i32_1 = arith.constant 0 : i32
    return %c0_i32, %arg0, %c0_i32_0 : i32, i32, i32
  }
  func.func @transform_1(%arg0: i32) -> (i32, i32) {
    %c0_i32 = arith.constant 0 : i32
    %c0_i32_0 = arith.constant 0 : i32
    return %arg0, %c0_i32 : i32, i32
  }
  func.func @transform_2(%arg0: i32) -> (i32, i32) {
    %c0_i32 = arith.constant 0 : i32
    %c0_i32_0 = arith.constant 0 : i32
    return %arg0, %c0_i32 : i32, i32
  }
  func.func @transform_3(%arg0: i32) -> (i32, i32) {
    %c0_i32 = arith.constant 0 : i32
    %c0_i32_0 = arith.constant 0 : i32
    %c0_i32_1 = arith.constant 0 : i32
    return %c0_i32, %c0_i32_0 : i32, i32
  }
  func.func @transform_4(%arg0: i32) -> (i32, i32) {
    %c0_i32 = arith.constant 0 : i32
    %c0_i32_0 = arith.constant 0 : i32
    %c0_i32_1 = arith.constant 0 : i32
    return %c0_i32, %c0_i32_0 : i32, i32
  }
  func.func @transform_5(%arg0: i32) -> (i32, i32) {
    %c0_i32 = arith.constant 0 : i32
    %c0_i32_0 = arith.constant 0 : i32
    %c0_i32_1 = arith.constant 0 : i32
    return %c0_i32, %c0_i32_0 : i32, i32
  }
  func.func @transform_6(%arg0: i32) -> (i32, i32) {
    %c0_i32 = arith.constant 0 : i32
    %c0_i32_0 = arith.constant 0 : i32
    %c0_i32_1 = arith.constant 0 : i32
    return %c0_i32, %c0_i32_0 : i32, i32
  }
  func.func @transform_7(%arg0: i32) -> (i32, i32) {
    %c0_i32 = arith.constant 0 : i32
    %c0_i32_0 = arith.constant 0 : i32
    return %arg0, %c0_i32 : i32, i32
  }
  func.func @transform_8(%arg0: i32) -> (i32, i32) {
    %c0_i32 = arith.constant 0 : i32
    %c0_i32_0 = arith.constant 0 : i32
    return %arg0, %c0_i32 : i32, i32
  }
}

</mosaic_0001>

<sc_bundles>
// kernel: kernel.11.cloned.1.call-start
scs
__scs_entry_jumppad:
0x0: {  	(pc) =	sbr.rel $0x88, $3  }
0x1: {  	(tag) =	ssettag $0x0;
	lr =	simm.s32 $0x1  }
0x2: {  	[smem:$0x3F99] =	sst lr;
	_ =	strace $0xD0000000  }
0x3: {  	_ = 	snop  }
0x4: {  	_ = 	snop  }
0x5: {  	_ = 	snop  }
0x6: {  	_ = 	snop  }
0x7: {  	_ = 	snop  }
__scs_overlays_trampoline_lowered:
0x8: {  	[smem:$0x3FA8] =	sst s0  }
0x9: {  	[smem:$0x3FA9] =	sst s1  }
0xa: {  	[smem:$0x3FAA] =	sst s2  }
0xb: {  	[smem:$0x3FAB] =	sst s3  }
0xc: {  	[smem:$0x3FAC] =	sst s4  }
0xd: {  	[smem:$0x3FAD] =	sst s5  }
0xe: {  	[smem:$0x3FAE] =	sst s6  }
0xf: {  	[smem:$0x3FAF] =	sst s7  }
0x10: {  	[smem:$0x3FB0] =	sst s8  }
0x11: {  	[smem:$0x3FB1] =	sst s9;
	s0 =	simm.s32 @!p0 $0x0  }
0x12: {  	s1 =	sld [smem:$0x3F97];
	s0 =	simm.s32 @p0 $0x1  }
0x13: {  	[smem:$0x3FB2] =	sst s0;
	s0 =	simm.s32 @!p1 $0x0  }
0x14: {  	s2 =	sld [smem:$0x3F96];
	s0 =	simm.s32 @p1 $0x1  }
0x15: {  	[smem:$0x3FB3] =	sst s0;
	s0 =	simm.s32 @!p2 $0x0  }
0x16: {  	s3 =	sld [smem:$0x3FDB];
	s0 =	simm.s32 @p2 $0x1  }
0x17: {  	s4 =	simm.s32 $0x1BF5;
	[smem:$0x3FB5] =	sst s0  }
0x18: {  	s0 =	sld [smem:$0x3F98];
	_ =	swait.ge [sflag:s4], $0x0  }
0x19: {  	s7 =	sld [smem:$0x3F99]  }
0x1a: {  	s8 =	sadd.s32 $0xFFFFE003, lr  }
0x1b: {  	s9 =	sadd.s32 $0xFFFFFEF7, lr;
	s5 =	simm.s32 $0xFFFFFFFF;
	p2 =	slt.u32 s8, $0xFFFFF086  }
0x1c: {  	p1 =	slt.u32 s9, $0xF7A;
	s5 =	simm.s32 @!p2 $0x0  }
0x1d: {  	s5 =	simm.s32 @p1 $0x1;
	p0 =	seq.s32 s7, s2  }
0x1e: {  	s7 =	smul.u32 @!p0 $0xF7A, s2;
	p2 =	seq.s32 @!p0 s5, $0x0  }
0x1f: {  	s9 =	smul.u32 $0xF7A, s1;
	s8 =	simm.s32 @!p0 $0x1BF5;
	p2 =	por !p2, p0  }
0x20: {  	[sflag:s8] =	ssyncset.s32 @!p0 $0xFFFFF086;
	s6 =	sadd.s32 @!p0 s3, s7;
	s7 =	simm.s32 @!p0 $0x108  }
0x21: {  	s3 =	sadd.s32 s3, s9;
	s6 =	sadd.s32 @!p0 $0x88, s6;
	s7 =	simm.s32 @p2 $0x1082  }
0x22: {  	[simem:s7], [sflag:s8] =	dma.local @!p0 [hbm:s6], $0xF7A  }
0x23: {  	s9 =	sor.u32 $0xD0000000, s2;
	s6 =	simm.s32 $0x108;
	_ =	swait.ge @!p0 [sflag:s8], $0x0  }
0x24: {  	s3 =	sadd.s32 $0x88, s3;
	s6 =	simm.s32 @!p1 $0x1082;
	[sflag:s4] =	ssyncset.s32 $0xFFFFF086  }
0x25: {  	[simem:s6], [sflag:s4] =	dma.local [hbm:s3], $0xF7A  }
0x26: {  	[smem:$0x3F99] =	sst s1;
	(tag) =	ssettag s2;
	_ =	strace s9  }
0x27: {  	s1 =	sld [smem:$0x3FA9]  }
0x28: {  	s2 =	sld [smem:$0x3FAA]  }
0x29: {  	s4 =	sld [smem:$0x3FAC]  }
0x2a: {  	p0 =	seq.s32 s5, $0x0;
	s5 =	sld [smem:$0x3FAD]  }
0x2b: {  	s6 =	sld [smem:$0x3FAE]  }
0x2c: {  	s7 =	sld [smem:$0x3FAF]  }
0x2d: {  	s3 =	simm.s32 $0x108;
	s8 =	sld [smem:$0x3FB0]  }
0x2e: {  	s3 =	simm.s32 @!p0 $0x1082;
	s9 =	sld [smem:$0x3FB1]  }
0x2f: {  	lr =	sadd.s32 s0, s3;
	s0 =	sld [smem:$0x3FA8]  }
0x30: {  	s3 =	sld [smem:$0x3FAB]  }
0x31: {  	[smem:$0x3FB4] =	sst s10  }
0x32: {  	s10 =	sld [smem:$0x3FB2];
	_ =	sdelay $0x3  }
0x33: {  	p0 =	seq.s32 s10, $0x1;
	s10 =	sld [smem:$0x3FB4];
	_ =	sdelay $0x3  }
0x34: {  	[smem:$0x3FB4] =	sst s10  }
0x35: {  	s10 =	sld [smem:$0x3FB3];
	_ =	sdelay $0x3  }
0x36: {  	p1 =	seq.s32 s10, $0x1;
	s10 =	sld [smem:$0x3FB4];
	_ =	sdelay $0x3  }
0x37: {  	[smem:$0x3FB4] =	sst s10  }
0x38: {  	s10 =	sld [smem:$0x3FB5]  }
0x39: {  	_ = 	snop;
	(pc) =	sbr.ind lr, $3  }
0x3a: {  	_ = 	snop  }
0x3b: {  	_ = 	snop  }
0x3c: {  	p2 =	seq.s32 s10, $0x1;
	s10 =	sld [smem:$0x3FB4]  }
0x3d: {  	_ =	shalt  }
0x3e: {  	_ =	shalt  }
0x3f: {  	_ =	shalt  }
0x40: {  	_ =	shalt  }
0x41: {  	_ =	shalt  }
0x42: {  	_ =	shalt  }
0x43: {  	_ =	shalt  }
0x44: {  	_ =	shalt  }
0x45: {  	_ =	shalt  }
0x46: {  	_ =	shalt  }
0x47: {  	_ =	shalt  }
0x48: {  	_ =	shalt  }
0x49: {  	_ =	shalt  }
0x4a: {  	_ =	shalt  }
0x4b: {  	_ =	shalt  }
0x4c: {  	_ =	shalt  }
0x4d: {  	_ =	shalt  }
0x4e: {  	_ =	shalt  }
0x4f: {  	_ =	shalt  }
0x50: {  	_ =	shalt  }
0x51: {  	_ =	shalt  }
0x52: {  	_ =	shalt  }
0x53: {  	_ =	shalt  }
0x54: {  	_ =	shalt  }
0x55: {  	_ =	shalt  }
0x56: {  	_ =	shalt  }
0x57: {  	_ =	shalt  }
0x58: {  	_ =	shalt  }
0x59: {  	_ =	shalt  }
0x5a: {  	_ =	shalt  }
0x5b: {  	_ =	shalt  }
0x5c: {  	_ =	shalt  }
0x5d: {  	_ =	shalt  }
0x5e: {  	_ =	shalt  }
0x5f: {  	_ =	shalt  }
0x60: {  	_ =	shalt  }
0x61: {  	_ =	shalt  }
0x62: {  	_ =	shalt  }
0x63: {  	_ =	shalt  }
0x64: {  	_ =	shalt  }
0x65: {  	_ =	shalt  }
0x66: {  	_ =	shalt  }
0x67: {  	_ =	shalt  }
0x68: {  	_ =	shalt  }
0x69: {  	_ =	shalt  }
0x6a: {  	_ =	shalt  }
0x6b: {  	_ =	shalt  }
0x6c: {  	_ =	shalt  }
0x6d: {  	_ =	shalt  }
0x6e: {  	_ =	shalt  }
0x6f: {  	_ =	shalt  }
0x70: {  	_ =	shalt  }
0x71: {  	_ =	shalt  }
0x72: {  	_ =	shalt  }
0x73: {  	_ =	shalt  }
0x74: {  	_ =	shalt  }
0x75: {  	_ =	shalt  }
0x76: {  	_ =	shalt  }
0x77: {  	_ =	shalt  }
0x78: {  	_ =	shalt  }
0x79: {  	_ =	shalt  }
0x7a: {  	_ =	shalt  }
0x7b: {  	_ =	shalt  }
0x7c: {  	_ =	shalt  }
0x7d: {  	_ =	shalt  }
0x7e: {  	_ =	shalt  }
0x7f: {  	_ =	shalt  }
0x80: {  	_ =	shalt  }
0x81: {  	_ =	shalt  }
0x82: {  	_ =	shalt  }
0x83: {  	_ =	shalt  }
0x84: {  	_ =	shalt  }
0x85: {  	_ =	shalt  }
0x86: {  	_ =	shalt  }
0x87: {  	_ =	shalt  }
.Lfunc_end0:
.L_simem_size_0:
called_computation.1_lowered:
.L_overlay_start_0:
0x88: {  	s2 =	sld [smem:$0x3FD9]  }
0x89: {  	s3 =	sld [smem:$0x3FFE];
	_ =	sdelay $0x1  }
0x8a: {  	s1 =	srdreg.scid  }
0x8b: {  	s0 =	sand.u32 $0x1, s1  }
0x8c: {  	s14 =	sshll.u32 s0, $0xA;
	s2 =	sadd.s32 s3, s2  }
0x8d: {  	s2 =	sadd.s32 s2, s14  }
0x8e: {  	[smem:$0x3FC0] =	sst s2  }
0x8f: {  	_ = 	snop  }
0x90: {  	s2 =	sld [smem:$0x3FD0];
	_ =	sdelay $0x2  }
0x91: {  	s15 =	simm.s32 $0xA;
	s4 =	simm.s32 $0x10  }
0x92: {  	[smem:s4], [sflag:s15] =	dma.local [hbm:s2], $0x1  }
0x93: {  	_ =	swait.eq [sflag:s15], $0x1  }
0x94: {  	[sflag:s15] =	ssyncset.done $0x0  }
0x95: {  	s16 =	sld [smem:$0x10];
	[sflag:s15] =	ssyncadd.s32 $0xFFFFFFFF  }
0x96: {  	s17 =	sld [smem:$0x11];
	(tm) =	ssettm $0x1  }
0x97: {  	s18 =	sld [smem:$0x3FFB];
	_ =	sdelay $0x3  }
0x98: {  	_ =	strace s18  }
0x99: {  	s4 =	sld [smem:$0x3FFC];
	_ =	sdelay $0x3  }
0x9a: {  	_ =	strace s4  }
0x9b: {  	s4 =	sld [smem:$0x3FFD];
	_ =	sdelay $0x3  }
0x9c: {  	_ =	strace s4  }
0x9d: {  	_ =	strace $0x8FFFFFFF  }
0x9e: {  	s19 =	sld [smem:$0x3FDB];
	_ =	sdelay $0x1  }
0x9f: {  	s5 =	simm.s32 $_scs_section_size  }
0xa0: {  	s6 =	simm.s32 $_size__tile_overlayer_lowered;
	s7 =	simm.s32 $_tile_overlayer_lowered  }
0xa1: {  	s22 =	simm.s32 $0x1BFF;
	s21 =	sshll.u32 s7, $0x1;
	s4 =	sadd.s32 s5, s19  }
0xa2: {  	s8 =	simm.s32 $0x0;
	s20 =	sshll.u32 s6, $0x1;
	s6 =	sadd.s32 s21, s4  }
0xa3: {  	[timem:s8], [sflag:s22] =	dma.local [hbm:s6], s20  }
0xa4: {  	_ =	swait.ge [sflag:s22], s20  }
0xa5: {  	s5 =	ssub.s32 $0x0, s20;
	[sflag:s22] =	ssyncset.done $0x0  }
0xa6: {  	[sflag:s22] =	ssyncadd.s32 s5;
	_ =	sdelay $0x1  }
0xa7: {  	s23 =	simm.s32 $0x1B8B  }
0xa8: {  	_ =	swait.ge [sflag:s23], $0x1  }
0xa9: {  	[sflag:s23] =	ssyncset.done $0x0  }
0xaa: {  	s25 =	simm.s32 $0x1B8E;
	s24 =	sld [smem:$0x3FFE];
	[sflag:s23] =	ssyncadd.s32 $0xFFFFFFFF  }
0xab: {  	s26 =	simm.s32 $execute0_lowered;
	[smem:$0x3FD2] =	sst s25  }
0xac: {  	s6 =	sshll.u32 s26, $0x1;
	_ =	strace $0x80000049;
	[dreg:$0x1] =	wrdreg $0xFFFFFFFF  }
0xad: {  	s28 =	simm.s32 $_size_execute0_lowered;
	s4 =	sadd.s32 s4, s6;
	[dreg:$0x0] =	wrdreg $0x0  }
0xae: {  	s6 =	sshll.u32 s28, $0x1;
	[dreg:$0x2] =	wrdreg s4  }
0xaf: {  	[dreg:$0x3] =	wrdreg s6  }
0xb0: {  	[dreg:$0x4] =	wrdreg $0xC0  }
0xb1: {  	_ =	task [dreg:s8], $0x5FFFF  }
0xb2: {  	[dreg:$0x1] =	wrdreg $0xFFFFFFFF  }
0xb3: {  	[dreg:$0x0] =	wrdreg $0x60  }
0xb4: {  	[dreg:$0x2] =	wrdreg s24  }
0xb5: {  	[dreg:$0x3] =	wrdreg s17  }
0xb6: {  	[dreg:$0x4] =	wrdreg s16  }
0xb7: {  	[dreg:$0x5] =	wrdreg $0xA9000  }
0xb8: {  	[dreg:$0x6] =	wrdreg $0x9  }
0xb9: {  	_ =	task.clear_ibuf [dreg:s8], $0x7FFFF;
	_ =	strace $0x90000049  }
0xba: {  	s29 =	simm.s32 $0x9;
	_ =	strace $0x8000004B  }
0xbb: {  	_ =	swait.ge [sflag:s29], $0x1  }
0xbc: {  	[sflag:s29] =	ssyncadd.s32 $0xFFFFFFFF  }
0xbd: {  	_ =	strace $0x9000004B  }
0xbe: {  	_ =	sfence  }
0xbf: {  	s30 =	sld [smem:$0x0];
	_ =	sdelay $0x2  }
0xc0: {  	s31 =	sshll.u32 s1, $0xD;
	s1 =	sshrl.u32 s1, $0x2  }
0xc1: {  	s3 =	sand.u32 $0x4000, s31;
	s1 =	sadd.s32 s1, s30  }
0xc2: {  	s0 =	sor.u32 s3, s0;
	s1 =	sshll.u32 s1, $0x11  }
0xc3: {  	s0 =	sor.u32 s1, s0  }
0xc4: {  	s0 =	sadd.s32 $0x8F2B, s0  }
0xc5: {  	[sflag:s0] =	ssyncadd.remote.s32 $0x1  }
0xc6: {  	_ =	sfence.sel $0xFFFF  }
0xc7: {  	[dreg:$0x0] =	wrdreg $0xFFFFFFFF;
	(pc) =	sbr.abs _section_cstart, $3  }
0xc8: {  	[dreg:$0x1] =	wrdreg $0xFFFFFFFF  }
0xc9: {  	_ =	task.clear_ibuf [dreg:s8], $0x2FFFF;
	_ =	strace $0x9FFFFFFF  }
0xca: {  	(tm) =	ssettm $0x7FFFFFFF  }
0xcb: {  	_ =	shalt  }
tec
execute0_lowered:
.L_overlay_start_1:
0x0: {  	(tag) =	ssettag $0x1  }
0x1: {  	s0 =	rddreg [dreg:$0x0]  }
0x2: {  	s1 =	rddreg [dreg:$0x1]  }
0x3: {  	s2 =	rddreg [dreg:$0x2]  }
0x4: {  	s3 =	rddreg [dreg:$0x3];
	s5 =	srdreg.scid  }
0x5: {  	s13 =	stileid.u32;
	s4 =	simm.s32 $0x0;
	s17 =	simm.s32 $0x5  }
0x6: {  	s18 =	simm.s32 $0x2800;
	s19 =	simm.s32 $0x80;
	s20 =	simm.s32 $0x2900  }
0x7: {  	s21 =	simm.s32 $0x2880;
	s22 =	simm.s32 $0x6900;
	s23 =	simm.s32 $0x1  }
0x8: {  	s28 =	simm.s32 $0x3;
	s30 =	simm.s32 $0x0;
	s7 =	smul.u32 $0x2800, s13  }
0x9: {  	s6 =	sand.u32 $0x1, s5;
	[smem:$0x7FF] =	sst s4;
	s25 =	smul.u32 $0x50000, s13  }
0xa: {  	s5 =	sadd.s32 $0x2A00, s0;
	s9 =	sadd.s32 $0x2AA00, s0;
	s31 =	smul.u32 $0x500, s13  }
0xb: {  	s11 =	sshll.u32 s13, $0x6;
	s8 =	smul.u32 $0x28000, s6;
	_ =	strace $0x8000004A  }
0xc: {  	[dreg:$0x5] =	wrdreg s9;
	s24 =	ssub.s32 $0x2, s6;
	s10 =	sshll.u32 s6, $0x4  }
0xd: {  	s29 =	smul.u32 $0x5000, s6;
	s26 =	sshrl.u32 s24, $0x1;
	s10 =	sor.u32 s13, s10  }
0xe: {  	s9 =	sshrl.u32 s25, $0x2;
	s25 =	simm.s32 $0x4;
	s7 =	sadd.s32 s7, s8  }
0xf: {  	s10 =	smul.u32 $0x500, s10;
	s12 =	ssub.s32 s24, s26;
	s16 =	sadd.s32 s9, s3  }
0x10: {  	s15 =	sadd.s32 s31, s29;
	s26 =	simm.s32 $0x2;
	s0 =	sadd.s32 s7, s0  }
0x11: {  	s7 =	sor.u32 $0x1C05, s11;
	s11 =	smax.u32 s12, $0x1;
	s16 =	sshrl.u32 s16, $0x3  }
0x12: {  	s8 =	sadd.s32 s1, s10;
	s9 =	sadd.s32 s2, s10;
	s10 =	sadd.s32 $0x2D200, s0  }
0x13: {  	s12 =	sadd.s32 $0x10, s9;
	s13 =	sadd.s32 $0x20, s9;
	s14 =	sadd.s32 $0x4F0, s9  }
.LBB2_1:
0x14: {  	s0 =	rddreg [dreg:$0x5]  }
0x15: {  	[spmem:s16], [sflag:s7] =	dma.local [hbm:s0], $0x2800  }
0x16: {  	_ =	swait.ge [sflag:s17], $0x2800  }
0x17: {  	[sflag:s17] =	ssyncset.done $0x0  }
0x18: {  	[sflag:s17] =	ssyncadd.s32 $0xFFFFD800  }
0x19: {  	[tilespmem:s4], [sflag:$0x5] =	stream.linear.gather [hbm4b:s8+s4], $0x2800, $0x38;
	[tilespmem:$0x1E900] =	vst v63  }
0x1a: {  	_ =	swait.ge [sflag:s17], $0x2800  }
0x1b: {  	[sflag:s17] =	ssyncset.done $0x0  }
0x1c: {  	[sflag:s17] =	ssyncadd.s32 $0xFFFFD800  }
0x1d: {  	[tilespmem:s18], [sflag:$0x5] =	stream.linear.gather [hbm4b:s9+s4], $0x80, $0x38;
	[tilespmem:$0x1E900] =	vst v63  }
0x1e: {  	_ =	swait.ge [sflag:s17], $0x80  }
0x1f: {  	[sflag:s17] =	ssyncset.done $0x0  }
0x20: {  	[sflag:s17] =	ssyncadd.s32 $0xFFFFFF80  }
0x21: {  	[bflag:$0x0] =	sbarrier.arrive $0xFFFF  }
0x22: {  	[tilespmem:s20], [sflag:$0x1] =	stream.indirect.gather [hbm4b:s5+s19], $0x80, s4, s19, $0xb8;
	[tilespmem:$0x1E900] =	vst v63  }
0x23: {  	_ = 	snop  }
0x24: {  	[tilespmem:s21], [sflag:$0x4] =	stream.linear.gather [hbm4b:s12+s4], $0x80, $0x38;
	[tilespmem:$0x1E900] =	vst v63  }
0x25: {  	_ = 	snop  }
0x26: {  	[tilespmem:s22], [sflag:$0x2] =	stream.indirect.gather [hbm4b:s5+s19], $0x80, s19, s19, $0xb8;
	[tilespmem:$0x1E900] =	vst v63  }
0x27: {  	_ =	swait.ge [sflag:s23], $0x4000  }
0x28: {  	[sflag:s23] =	ssyncset.done $0x0  }
0x29: {  	[sflag:s23] =	ssyncadd.s32 $0xFFFFC000  }
0x2a: {  	[spmem:s3] =	stream.indirect.scatter.add.f32 [tilespmem:s20], [sflag:$0x5], $0x80, s18, s19, $0xb8;
	[tilespmem:$0x1E900] =	vst v63  }
0x2b: {  	_ =	swait.ge [sflag:s17], $0x4000  }
0x2c: {  	[sflag:s17] =	ssyncset.done $0x0  }
0x2d: {  	[sflag:s17] =	ssyncadd.s32 $0xFFFFC000  }
0x2e: {  	[tilespmem:s18], [sflag:$0x3] =	stream.linear.gather [hbm4b:s13+s4], $0x80, $0x38;
	[tilespmem:$0x1E900] =	vst v63  }
0x2f: {  	s6 =	simm.s32 $0x100  }
0x30: {  	[tilespmem:s20], [sflag:$0x1] =	stream.indirect.gather [hbm4b:s5+s19], $0x80, s6, s19, $0xb8;
	[tilespmem:$0x1E900] =	vst v63  }
0x31: {  	_ =	swait.ge [sflag:s25], $0x80  }
0x32: {  	[sflag:s25] =	ssyncset.done $0x0  }
0x33: {  	[sflag:s25] =	ssyncadd.s32 $0xFFFFFF80  }
0x34: {  	_ =	swait.ge [sflag:s26], $0x4000  }
0x35: {  	[sflag:s26] =	ssyncset.done $0x0  }
0x36: {  	s1 =	simm.s32 $0x30;
	s0 =	sadd.s32 $0x40, s15;
	[sflag:s26] =	ssyncadd.s32 $0xFFFFC000  }
0x37: {  	[spmem:s3] =	stream.indirect.scatter.add.f32 [tilespmem:s22], [sflag:$0x5], $0x80, s21, s19, $0xb8;
	[tilespmem:$0x1E900] =	vst v63  }
0x38: {  	s1 =	sand.u32 $0x70, s1;
	s6 =	sadd.s32 $0xFFFFFFE0, s0;
	_ =	swait.ge [sflag:s17], $0x4000  }
0x39: {  	s1 =	sadd.s32 s2, s1;
	s6 =	sand.u32 $0xFFFFF80, s6;
	[sflag:s17] =	ssyncset.done $0x0  }
0x3a: {  	s1 =	sadd.s32 s6, s1;
	[sflag:s17] =	ssyncadd.s32 $0xFFFFC000  }
0x3b: {  	[tilespmem:s21], [sflag:$0x4] =	stream.linear.gather [hbm4b:s1+s4], $0x80, $0x38;
	[tilespmem:$0x1E900] =	vst v63  }
0x3c: {  	s24 =	simm.s32 $0x180  }
0x3d: {  	[tilespmem:s22], [sflag:$0x2] =	stream.indirect.gather [hbm4b:s5+s19], $0x80, s24, s19, $0xb8;
	[tilespmem:$0x1E900] =	vst v63  }
0x3e: {  	_ =	swait.ge [sflag:s28], $0x80  }
0x3f: {  	[sflag:s28] =	ssyncset.done $0x0  }
0x40: {  	[sflag:s28] =	ssyncadd.s32 $0xFFFFFF80  }
0x41: {  	_ =	swait.ge [sflag:s23], $0x4000  }
0x42: {  	[sflag:s23] =	ssyncset.done $0x0  }
0x43: {  	s6 =	simm.s32 $0x40;
	[sflag:s23] =	ssyncadd.s32 $0xFFFFC000  }
0x44: {  	[spmem:s3] =	stream.indirect.scatter.add.f32 [tilespmem:s20], [sflag:$0x5], $0x80, s18, s19, $0xb8;
	[tilespmem:$0x1E900] =	vst v63  }
0x45: {  	s1 =	sand.u32 $0x60, s6;
	_ =	swait.ge [sflag:s17], $0x4000  }
0x46: {  	s0 =	sand.u32 $0xFFFFF80, s0;
	s1 =	sadd.s32 s2, s1;
	[sflag:s17] =	ssyncset.done $0x0  }
0x47: {  	s0 =	sadd.s32 s0, s1;
	[sflag:s17] =	ssyncadd.s32 $0xFFFFC000  }
0x48: {  	[tilespmem:s18], [sflag:$0x3] =	stream.linear.gather [hbm4b:s0+s4], $0x80, $0x38;
	[tilespmem:$0x1E900] =	vst v63  }
0x49: {  	s24 =	simm.s32 $0x200  }
0x4a: {  	[tilespmem:s20], [sflag:$0x1] =	stream.indirect.gather [hbm4b:s5+s19], $0x80, s24, s19, $0xb8;
	[tilespmem:$0x1E900] =	vst v63  }
0x4b: {  	_ =	swait.ge [sflag:s25], $0x80  }
0x4c: {  	[sflag:s25] =	ssyncset.done $0x0  }
0x4d: {  	[sflag:s25] =	ssyncadd.s32 $0xFFFFFF80  }
0x4e: {  	s6 =	simm.s32 $0x50;
	_ =	swait.ge [sflag:s26], $0x4000  }
0x4f: {  	s31 =	simm.s32 $0x280;
	s6 =	sand.u32 $0x70, s6;
	[sflag:s26] =	ssyncset.done $0x0  }
0x50: {  	s1 =	simm.s32 $0x80;
	s24 =	sadd.s32 $0x60, s15;
	[sflag:s26] =	ssyncadd.s32 $0xFFFFC000  }
0x51: {  	[spmem:s3] =	stream.indirect.scatter.add.f32 [tilespmem:s22], [sflag:$0x5], $0x80, s21, s19, $0xb8;
	[tilespmem:$0x1E900] =	vst v63  }
0x52: {  	s6 =	sadd.s32 s2, s6;
	s29 =	sadd.s32 $0xFFFFFFE0, s24;
	_ =	swait.ge [sflag:s17], $0x4000  }
0x53: {  	s0 =	simm.s32 $0x60;
	s29 =	sand.u32 $0xFFFFF80, s29;
	[sflag:s17] =	ssyncset.done $0x0  }
.LBB2_2:
0x54: {  	s6 =	sadd.s32 s29, s6;
	s24 =	sand.u32 $0xFFFFF80, s24;
	[sflag:s17] =	ssyncadd.s32 $0xFFFFC000  }
0x55: {  	[tilespmem:s21], [sflag:$0x4] =	stream.linear.gather [hbm4b:s6+s4], $0x80, $0x38;
	[tilespmem:$0x1E900] =	vst v63  }
0x56: {  	p0 =	sne.s32 s1, $0x4E0;
	s6 =	smov.u32 s1;
	s1 =	sadd.s32 $0x20, s1  }
0x57: {  	[tilespmem:s22], [sflag:$0x2] =	stream.indirect.gather [hbm4b:s5+s19], $0x80, s31, s19, $0xb8;
	[tilespmem:$0x1E900] =	vst v63  }
0x58: {  	_ =	swait.ge [sflag:s28], $0x80  }
0x59: {  	[sflag:s28] =	ssyncset.done $0x0  }
0x5a: {  	[sflag:s28] =	ssyncadd.s32 $0xFFFFFF80  }
0x5b: {  	_ =	swait.ge [sflag:s23], $0x4000  }
0x5c: {  	[sflag:s23] =	ssyncset.done $0x0  }
0x5d: {  	[sflag:s23] =	ssyncadd.s32 $0xFFFFC000  }
0x5e: {  	[spmem:s3] =	stream.indirect.scatter.add.f32 [tilespmem:s20], [sflag:$0x5], $0x80, s18, s19, $0xb8;
	[tilespmem:$0x1E900] =	vst v63  }
0x5f: {  	s29 =	sand.u32 $0x60, s0;
	s0 =	smov.u32 s6;
	_ =	swait.ge [sflag:s17], $0x4000  }
0x60: {  	s6 =	sadd.s32 s2, s29;
	[sflag:s17] =	ssyncset.done $0x0  }
0x61: {  	s6 =	sadd.s32 s24, s6;
	[sflag:s17] =	ssyncadd.s32 $0xFFFFC000  }
0x62: {  	[tilespmem:s18], [sflag:$0x3] =	stream.linear.gather [hbm4b:s6+s4], $0x80, $0x38;
	[tilespmem:$0x1E900] =	vst v63  }
0x63: {  	s6 =	sadd.s32 $0x80, s31  }
0x64: {  	[tilespmem:s20], [sflag:$0x1] =	stream.indirect.gather [hbm4b:s5+s19], $0x80, s6, s19, $0xb8;
	[tilespmem:$0x1E900] =	vst v63  }
0x65: {  	_ =	swait.ge [sflag:s25], $0x80  }
0x66: {  	[sflag:s25] =	ssyncset.done $0x0  }
0x67: {  	[sflag:s25] =	ssyncadd.s32 $0xFFFFFF80  }
0x68: {  	_ =	swait.ge [sflag:s26], $0x4000  }
.Ltmp0:
0x69: {  	s31 =	sadd.s32 $0x100, s31;
	[sflag:s26] =	ssyncset.done $0x0;
	(pc) =	sbr.rel @p0 .LBB2_2-.Ltmp0, $4  }
0x6a: {  	s24 =	sadd.s32 s0, s15;
	s6 =	sadd.s32 $0xFFFFFFF0, s0;
	[sflag:s26] =	ssyncadd.s32 $0xFFFFC000  }
0x6b: {  	[spmem:s3] =	stream.indirect.scatter.add.f32 [tilespmem:s22], [sflag:$0x5], $0x80, s21, s19, $0xb8;
	[tilespmem:$0x1E900] =	vst v63  }
0x6c: {  	s29 =	sadd.s32 $0xFFFFFFE0, s24;
	s6 =	sand.u32 $0x70, s6;
	_ =	swait.ge [sflag:s17], $0x4000  }
0x6d: {  	s29 =	sand.u32 $0xFFFFF80, s29;
	s6 =	sadd.s32 s2, s6;
	[sflag:s17] =	ssyncset.done $0x0  }
0x6e: {  	s1 =	sadd.s32 s29, s6;
	[sflag:s17] =	ssyncadd.s32 $0xFFFFC000  }
0x6f: {  	[tilespmem:s21], [sflag:$0x4] =	stream.linear.gather [hbm4b:s1+s4], $0x80, $0x38;
	[tilespmem:$0x1E900] =	vst v63  }
0x70: {  	_ = 	snop  }
0x71: {  	[tilespmem:s22], [sflag:$0x2] =	stream.indirect.gather [hbm4b:s5+s19], $0x80, s31, s19, $0xb8;
	[tilespmem:$0x1E900] =	vst v63  }
0x72: {  	_ =	swait.ge [sflag:s28], $0x80  }
0x73: {  	[sflag:s28] =	ssyncset.done $0x0  }
0x74: {  	[sflag:s28] =	ssyncadd.s32 $0xFFFFFF80  }
0x75: {  	_ =	swait.ge [sflag:s23], $0x4000  }
0x76: {  	[sflag:s23] =	ssyncset.done $0x0  }
0x77: {  	[sflag:s23] =	ssyncadd.s32 $0xFFFFC000  }
0x78: {  	[spmem:s3] =	stream.indirect.scatter.add.f32 [tilespmem:s20], [sflag:$0x5], $0x80, s18, s19, $0xb8;
	[tilespmem:$0x1E900] =	vst v63  }
0x79: {  	s0 =	sand.u32 $0x60, s0;
	_ =	swait.ge [sflag:s17], $0x4000  }
0x7a: {  	s24 =	sand.u32 $0xFFFFF80, s24;
	s0 =	sadd.s32 s2, s0;
	[sflag:s17] =	ssyncset.done $0x0  }
0x7b: {  	s0 =	sadd.s32 s24, s0;
	[sflag:s17] =	ssyncadd.s32 $0xFFFFC000  }
0x7c: {  	[tilespmem:s18], [sflag:$0x3] =	stream.linear.gather [hbm4b:s0+s4], $0x80, $0x38;
	[tilespmem:$0x1E900] =	vst v63  }
0x7d: {  	s29 =	sadd.s32 $0x80, s31  }
0x7e: {  	[tilespmem:s20], [sflag:$0x1] =	stream.indirect.gather [hbm4b:s5+s19], $0x80, s29, s19, $0xb8;
	[tilespmem:$0x1E900] =	vst v63  }
0x7f: {  	_ =	swait.ge [sflag:s25], $0x80  }
0x80: {  	[sflag:s25] =	ssyncset.done $0x0  }
0x81: {  	[sflag:s25] =	ssyncadd.s32 $0xFFFFFF80  }
0x82: {  	_ =	swait.ge [sflag:s26], $0x4000  }
0x83: {  	[sflag:s26] =	ssyncset.done $0x0  }
0x84: {  	[sflag:s26] =	ssyncadd.s32 $0xFFFFC000  }
0x85: {  	[spmem:s3] =	stream.indirect.scatter.add.f32 [tilespmem:s22], [sflag:$0x5], $0x80, s21, s19, $0xb8;
	[tilespmem:$0x1E900] =	vst v63  }
0x86: {  	_ =	swait.ge [sflag:s17], $0x4000  }
0x87: {  	[sflag:s17] =	ssyncset.done $0x0  }
0x88: {  	[sflag:s17] =	ssyncadd.s32 $0xFFFFC000  }
0x89: {  	[tilespmem:s21], [sflag:$0x4] =	stream.linear.gather [hbm4b:s14+s4], $0x80, $0x38;
	[tilespmem:$0x1E900] =	vst v63  }
0x8a: {  	s31 =	simm.s32 $0x2780  }
0x8b: {  	[tilespmem:s22], [sflag:$0x2] =	stream.indirect.gather [hbm4b:s5+s19], $0x80, s31, s19, $0xb8;
	[tilespmem:$0x1E900] =	vst v63  }
0x8c: {  	_ =	swait.ge [sflag:s28], $0x80  }
0x8d: {  	[sflag:s28] =	ssyncset.done $0x0  }
0x8e: {  	[sflag:s28] =	ssyncadd.s32 $0xFFFFFF80  }
0x8f: {  	_ =	swait.ge [sflag:s23], $0x4000  }
0x90: {  	[sflag:s23] =	ssyncset.done $0x0  }
0x91: {  	[sflag:s23] =	ssyncadd.s32 $0xFFFFC000  }
0x92: {  	[spmem:s3] =	stream.indirect.scatter.add.f32 [tilespmem:s20], [sflag:$0x5], $0x80, s18, s19, $0xb8;
	[tilespmem:$0x1E900] =	vst v63  }
0x93: {  	_ =	swait.ge [sflag:s17], $0x4000  }
0x94: {  	[sflag:s17] =	ssyncset.done $0x0  }
0x95: {  	[sflag:s17] =	ssyncadd.s32 $0xFFFFC000  }
0x96: {  	_ =	swait.ge [sflag:s25], $0x80  }
0x97: {  	[sflag:s25] =	ssyncset.done $0x0  }
0x98: {  	[sflag:s25] =	ssyncadd.s32 $0xFFFFFF80  }
0x99: {  	_ =	swait.ge [sflag:s26], $0x4000  }
0x9a: {  	[sflag:s26] =	ssyncset.done $0x0  }
0x9b: {  	[sflag:s26] =	ssyncadd.s32 $0xFFFFC000  }
0x9c: {  	[spmem:s3] =	stream.indirect.scatter.add.f32 [tilespmem:s22], [sflag:$0x5], $0x80, s21, s19, $0xb8;
	[tilespmem:$0x1E900] =	vst v63  }
0x9d: {  	_ =	swait.ge [sflag:s17], $0x4000  }
0x9e: {  	s30 =	sadd.s32 $0x1, s30;
	[sflag:s17] =	ssyncset.done $0x0  }
0x9f: {  	p0 =	sne.s32 s30, s11;
	[sflag:s17] =	ssyncadd.s32 $0xFFFFC000  }
.Ltmp1:
0xa0: {  	[bflag:$0x0] =	sbarrier.arrive $0xFFFF;
	(pc) =	sbr.rel @p0 .LBB2_1-.Ltmp1, $4  }
0xa1: {  	[hbm:s10], [sflag:s7] =	dma.local [spmem:s16], $0x2800  }
0xa2: {  	_ =	swait.ge [sflag:s17], $0x2800  }
0xa3: {  	[sflag:s17] =	ssyncset.done $0x0  }
0xa4: {  	[sflag:s17] =	ssyncadd.s32 $0xFFFFD800  }
0xa5: {  	_ =	sfence.sel $0x180000  }
0xa6: {  	[bflag:$0x0] =	sbarrier.arrive $0xFFFF  }
0xa7: {  	_ =	strace $0x9000004A  }
0xa8: {  	s0 =	stileid.u32;
	[bflag:$0x2] =	sbarrier.arrive $0xFFFF  }
0xa9: {  	p0 =	sne.s32 s0, $0x0;
	s0 =	rddreg [dreg:$0x4]  }
0xaa: {  	s0 =	sadd.s32 @!p0 $0x100000, s0  }
0xab: {  	[sflag:s0] =	ssyncadd.tile.s32 @!p0 $0x1;
	_ =	shalt  }
.Lfunc_end2:
_tile_overlayer_lowered:
.L_overlay_start_2:
0xac: {  	(tag) =	ssettag $0x2  }
0xad: {  	s0 =	rddreg [dreg:$0x0];
	s2 =	stileid.u32  }
0xae: {  	s1 =	rddreg [dreg:$0x1];
	p0 =	sne.s32 s2, $0x0  }
0xaf: {  	s3 =	rddreg [dreg:$0x2];
	[bflag:$0x3] =	sbarrier.arrive $0xFFFF;
	s2 =	simm.s32 @!p0 $0x1C05  }
0xb0: {  	[timem:s3], [sflag:s2] =	dma.local @!p0 [hbm:s0], s1  }
0xb1: {  	s0 =	simm.s32 @!p0 $0x5  }
0xb2: {  	_ =	swait.ge @!p0 [sflag:s0], s1  }
0xb3: {  	s1 =	ssub.s32 @!p0 $0x0, s1;
	[sflag:s0] =	ssyncset.done @!p0 $0x0  }
0xb4: {  	[sflag:s0] =	ssyncadd.s32 @!p0 s1  }
0xb5: {  	[bflag:$0x3] =	sbarrier.arrive $0xFFFF  }
0xb6: {  	_ =	shalt  }

// kernel: kernel.14.cloned.1.call-start
scs
__scs_entry_jumppad:
0x0: {  	(pc) =	sbr.rel $0x88, $3  }
0x1: {  	(tag) =	ssettag $0x0;
	lr =	simm.s32 $0x1  }
0x2: {  	[smem:$0x3F99] =	sst lr;
	_ =	strace $0xD0000000  }
0x3: {  	_ = 	snop  }
0x4: {  	_ = 	snop  }
0x5: {  	_ = 	snop  }
0x6: {  	_ = 	snop  }
0x7: {  	_ = 	snop  }
__scs_overlays_trampoline_lowered:
0x8: {  	[smem:$0x3FA8] =	sst s0  }
0x9: {  	[smem:$0x3FA9] =	sst s1  }
0xa: {  	[smem:$0x3FAA] =	sst s2  }
0xb: {  	[smem:$0x3FAB] =	sst s3  }
0xc: {  	[smem:$0x3FAC] =	sst s4  }
0xd: {  	[smem:$0x3FAD] =	sst s5  }
0xe: {  	[smem:$0x3FAE] =	sst s6  }
0xf: {  	[smem:$0x3FAF] =	sst s7  }
0x10: {  	[smem:$0x3FB0] =	sst s8  }
0x11: {  	[smem:$0x3FB1] =	sst s9;
	s0 =	simm.s32 @!p0 $0x0  }
0x12: {  	s1 =	sld [smem:$0x3F97];
	s0 =	simm.s32 @p0 $0x1  }
0x13: {  	[smem:$0x3FB2] =	sst s0;
	s0 =	simm.s32 @!p1 $0x0  }
0x14: {  	s2 =	sld [smem:$0x3F96];
	s0 =	simm.s32 @p1 $0x1  }
0x15: {  	[smem:$0x3FB3] =	sst s0;
	s0 =	simm.s32 @!p2 $0x0  }
0x16: {  	s3 =	sld [smem:$0x3FDB];
	s0 =	simm.s32 @p2 $0x1  }
0x17: {  	s4 =	simm.s32 $0x1BF5;
	[smem:$0x3FB5] =	sst s0  }
0x18: {  	s0 =	sld [smem:$0x3F98];
	_ =	swait.ge [sflag:s4], $0x0  }
0x19: {  	s7 =	sld [smem:$0x3F99]  }
0x1a: {  	s8 =	sadd.s32 $0xFFFFE003, lr  }
0x1b: {  	s9 =	sadd.s32 $0xFFFFFEF7, lr;
	s5 =	simm.s32 $0xFFFFFFFF;
	p2 =	slt.u32 s8, $0xFFFFF086  }
0x1c: {  	p1 =	slt.u32 s9, $0xF7A;
	s5 =	simm.s32 @!p2 $0x0  }
0x1d: {  	s5 =	simm.s32 @p1 $0x1;
	p0 =	seq.s32 s7, s2  }
0x1e: {  	s7 =	smul.u32 @!p0 $0xF7A, s2;
	p2 =	seq.s32 @!p0 s5, $0x0  }
0x1f: {  	s9 =	smul.u32 $0xF7A, s1;
	s8 =	simm.s32 @!p0 $0x1BF5;
	p2 =	por !p2, p0  }
0x20: {  	[sflag:s8] =	ssyncset.s32 @!p0 $0xFFFFF086;
	s6 =	sadd.s32 @!p0 s3, s7;
	s7 =	simm.s32 @!p0 $0x108  }
0x21: {  	s3 =	sadd.s32 s3, s9;
	s6 =	sadd.s32 @!p0 $0x88, s6;
	s7 =	simm.s32 @p2 $0x1082  }
0x22: {  	[simem:s7], [sflag:s8] =	dma.local @!p0 [hbm:s6], $0xF7A  }
0x23: {  	s9 =	sor.u32 $0xD0000000, s2;
	s6 =	simm.s32 $0x108;
	_ =	swait.ge @!p0 [sflag:s8], $0x0  }
0x24: {  	s3 =	sadd.s32 $0x88, s3;
	s6 =	simm.s32 @!p1 $0x1082;
	[sflag:s4] =	ssyncset.s32 $0xFFFFF086  }
0x25: {  	[simem:s6], [sflag:s4] =	dma.local [hbm:s3], $0xF7A  }
0x26: {  	[smem:$0x3F99] =	sst s1;
	(tag) =	ssettag s2;
	_ =	strace s9  }
0x27: {  	s1 =	sld [smem:$0x3FA9]  }
0x28: {  	s2 =	sld [smem:$0x3FAA]  }
0x29: {  	s4 =	sld [smem:$0x3FAC]  }
0x2a: {  	p0 =	seq.s32 s5, $0x0;
	s5 =	sld [smem:$0x3FAD]  }
0x2b: {  	s6 =	sld [smem:$0x3FAE]  }
0x2c: {  	s7 =	sld [smem:$0x3FAF]  }
0x2d: {  	s3 =	simm.s32 $0x108;
	s8 =	sld [smem:$0x3FB0]  }
0x2e: {  	s3 =	simm.s32 @!p0 $0x1082;
	s9 =	sld [smem:$0x3FB1]  }
0x2f: {  	lr =	sadd.s32 s0, s3;
	s0 =	sld [smem:$0x3FA8]  }
0x30: {  	s3 =	sld [smem:$0x3FAB]  }
0x31: {  	[smem:$0x3FB4] =	sst s10  }
0x32: {  	s10 =	sld [smem:$0x3FB2];
	_ =	sdelay $0x3  }
0x33: {  	p0 =	seq.s32 s10, $0x1;
	s10 =	sld [smem:$0x3FB4];
	_ =	sdelay $0x3  }
0x34: {  	[smem:$0x3FB4] =	sst s10  }
0x35: {  	s10 =	sld [smem:$0x3FB3];
	_ =	sdelay $0x3  }
0x36: {  	p1 =	seq.s32 s10, $0x1;
	s10 =	sld [smem:$0x3FB4];
	_ =	sdelay $0x3  }
0x37: {  	[smem:$0x3FB4] =	sst s10  }
0x38: {  	s10 =	sld [smem:$0x3FB5]  }
0x39: {  	_ = 	snop;
	(pc) =	sbr.ind lr, $3  }
0x3a: {  	_ = 	snop  }
0x3b: {  	_ = 	snop  }
0x3c: {  	p2 =	seq.s32 s10, $0x1;
	s10 =	sld [smem:$0x3FB4]  }
0x3d: {  	_ =	shalt  }
0x3e: {  	_ =	shalt  }
0x3f: {  	_ =	shalt  }
0x40: {  	_ =	shalt  }
0x41: {  	_ =	shalt  }
0x42: {  	_ =	shalt  }
0x43: {  	_ =	shalt  }
0x44: {  	_ =	shalt  }
0x45: {  	_ =	shalt  }
0x46: {  	_ =	shalt  }
0x47: {  	_ =	shalt  }
0x48: {  	_ =	shalt  }
0x49: {  	_ =	shalt  }
0x4a: {  	_ =	shalt  }
0x4b: {  	_ =	shalt  }
0x4c: {  	_ =	shalt  }
0x4d: {  	_ =	shalt  }
0x4e: {  	_ =	shalt  }
0x4f: {  	_ =	shalt  }
0x50: {  	_ =	shalt  }
0x51: {  	_ =	shalt  }
0x52: {  	_ =	shalt  }
0x53: {  	_ =	shalt  }
0x54: {  	_ =	shalt  }
0x55: {  	_ =	shalt  }
0x56: {  	_ =	shalt  }
0x57: {  	_ =	shalt  }
0x58: {  	_ =	shalt  }
0x59: {  	_ =	shalt  }
0x5a: {  	_ =	shalt  }
0x5b: {  	_ =	shalt  }
0x5c: {  	_ =	shalt  }
0x5d: {  	_ =	shalt  }
0x5e: {  	_ =	shalt  }
0x5f: {  	_ =	shalt  }
0x60: {  	_ =	shalt  }
0x61: {  	_ =	shalt  }
0x62: {  	_ =	shalt  }
0x63: {  	_ =	shalt  }
0x64: {  	_ =	shalt  }
0x65: {  	_ =	shalt  }
0x66: {  	_ =	shalt  }
0x67: {  	_ =	shalt  }
0x68: {  	_ =	shalt  }
0x69: {  	_ =	shalt  }
0x6a: {  	_ =	shalt  }
0x6b: {  	_ =	shalt  }
0x6c: {  	_ =	shalt  }
0x6d: {  	_ =	shalt  }
0x6e: {  	_ =	shalt  }
0x6f: {  	_ =	shalt  }
0x70: {  	_ =	shalt  }
0x71: {  	_ =	shalt  }
0x72: {  	_ =	shalt  }
0x73: {  	_ =	shalt  }
0x74: {  	_ =	shalt  }
0x75: {  	_ =	shalt  }
0x76: {  	_ =	shalt  }
0x77: {  	_ =	shalt  }
0x78: {  	_ =	shalt  }
0x79: {  	_ =	shalt  }
0x7a: {  	_ =	shalt  }
0x7b: {  	_ =	shalt  }
0x7c: {  	_ =	shalt  }
0x7d: {  	_ =	shalt  }
0x7e: {  	_ =	shalt  }
0x7f: {  	_ =	shalt  }
0x80: {  	_ =	shalt  }
0x81: {  	_ =	shalt  }
0x82: {  	_ =	shalt  }
0x83: {  	_ =	shalt  }
0x84: {  	_ =	shalt  }
0x85: {  	_ =	shalt  }
0x86: {  	_ =	shalt  }
0x87: {  	_ =	shalt  }
.Lfunc_end0:
.L_simem_size_0:
called_computation.2_lowered:
.L_overlay_start_0:
0x88: {  	s2 =	sld [smem:$0x3FD9]  }
0x89: {  	s3 =	sld [smem:$0x3FFE];
	_ =	sdelay $0x1  }
0x8a: {  	s1 =	srdreg.scid  }
0x8b: {  	s0 =	sand.u32 $0x1, s1  }
0x8c: {  	s14 =	sshll.u32 s0, $0xA;
	s2 =	sadd.s32 s3, s2  }
0x8d: {  	s2 =	sadd.s32 s2, s14  }
0x8e: {  	[smem:$0x3FC0] =	sst s2  }
0x8f: {  	_ = 	snop  }
0x90: {  	s2 =	sld [smem:$0x3FD0];
	_ =	sdelay $0x2  }
0x91: {  	s15 =	simm.s32 $0xA;
	s4 =	simm.s32 $0x10  }
0x92: {  	[smem:s4], [sflag:s15] =	dma.local [hbm:s2], $0x1  }
0x93: {  	_ =	swait.eq [sflag:s15], $0x1  }
0x94: {  	[sflag:s15] =	ssyncset.done $0x0  }
0x95: {  	s16 =	sld [smem:$0x10];
	[sflag:s15] =	ssyncadd.s32 $0xFFFFFFFF  }
0x96: {  	s17 =	sld [smem:$0x11];
	(tm) =	ssettm $0x1  }
0x97: {  	s18 =	sld [smem:$0x3FFB];
	_ =	sdelay $0x3  }
0x98: {  	_ =	strace s18  }
0x99: {  	s4 =	sld [smem:$0x3FFC];
	_ =	sdelay $0x3  }
0x9a: {  	_ =	strace s4  }
0x9b: {  	s4 =	sld [smem:$0x3FFD];
	_ =	sdelay $0x3  }
0x9c: {  	_ =	strace s4  }
0x9d: {  	_ =	strace $0x8FFFFFFF  }
0x9e: {  	s19 =	sld [smem:$0x3FDB];
	_ =	sdelay $0x1  }
0x9f: {  	s5 =	simm.s32 $_scs_section_size  }
0xa0: {  	s6 =	simm.s32 $_size__tile_overlayer_lowered;
	s7 =	simm.s32 $_tile_overlayer_lowered  }
0xa1: {  	s22 =	simm.s32 $0x1BFF;
	s21 =	sshll.u32 s7, $0x1;
	s4 =	sadd.s32 s5, s19  }
0xa2: {  	s8 =	simm.s32 $0x0;
	s20 =	sshll.u32 s6, $0x1;
	s6 =	sadd.s32 s21, s4  }
0xa3: {  	[timem:s8], [sflag:s22] =	dma.local [hbm:s6], s20  }
0xa4: {  	_ =	swait.ge [sflag:s22], s20  }
0xa5: {  	s5 =	ssub.s32 $0x0, s20;
	[sflag:s22] =	ssyncset.done $0x0  }
0xa6: {  	[sflag:s22] =	ssyncadd.s32 s5;
	_ =	sdelay $0x1  }
0xa7: {  	s23 =	simm.s32 $0x1B8B  }
0xa8: {  	_ =	swait.ge [sflag:s23], $0x1  }
0xa9: {  	[sflag:s23] =	ssyncset.done $0x0  }
0xaa: {  	s25 =	simm.s32 $0x1B8E;
	s24 =	sld [smem:$0x3FFE];
	[sflag:s23] =	ssyncadd.s32 $0xFFFFFFFF  }
0xab: {  	s26 =	simm.s32 $execute0_lowered;
	[smem:$0x3FD2] =	sst s25  }
0xac: {  	s6 =	sshll.u32 s26, $0x1;
	_ =	strace $0x8000004C;
	[dreg:$0x1] =	wrdreg $0xFFFFFFFF  }
0xad: {  	s28 =	simm.s32 $_size_execute0_lowered;
	s4 =	sadd.s32 s4, s6;
	[dreg:$0x0] =	wrdreg $0x0  }
0xae: {  	s6 =	sshll.u32 s28, $0x1;
	[dreg:$0x2] =	wrdreg s4  }
0xaf: {  	[dreg:$0x3] =	wrdreg s6  }
0xb0: {  	[dreg:$0x4] =	wrdreg $0xC0  }
0xb1: {  	_ =	task [dreg:s8], $0x5FFFF  }
0xb2: {  	[dreg:$0x1] =	wrdreg $0xFFFFFFFF  }
0xb3: {  	[dreg:$0x0] =	wrdreg $0x60  }
0xb4: {  	[dreg:$0x2] =	wrdreg s24  }
0xb5: {  	[dreg:$0x3] =	wrdreg s17  }
0xb6: {  	[dreg:$0x4] =	wrdreg s16  }
0xb7: {  	[dreg:$0x5] =	wrdreg $0xA9000  }
0xb8: {  	[dreg:$0x6] =	wrdreg $0x9  }
0xb9: {  	_ =	task.clear_ibuf [dreg:s8], $0x7FFFF;
	_ =	strace $0x9000004C  }
0xba: {  	s29 =	simm.s32 $0x9;
	_ =	strace $0x8000004E  }
0xbb: {  	_ =	swait.ge [sflag:s29], $0x1  }
0xbc: {  	[sflag:s29] =	ssyncadd.s32 $0xFFFFFFFF  }
0xbd: {  	_ =	strace $0x9000004E  }
0xbe: {  	_ =	sfence  }
0xbf: {  	s30 =	sld [smem:$0x0];
	_ =	sdelay $0x2  }
0xc0: {  	s31 =	sshll.u32 s1, $0xD;
	s1 =	sshrl.u32 s1, $0x2  }
0xc1: {  	s3 =	sand.u32 $0x4000, s31;
	s1 =	sadd.s32 s1, s30  }
0xc2: {  	s0 =	sor.u32 s3, s0;
	s1 =	sshll.u32 s1, $0x11  }
0xc3: {  	s0 =	sor.u32 s1, s0  }
0xc4: {  	s0 =	sadd.s32 $0x8F2B, s0  }
0xc5: {  	[sflag:s0] =	ssyncadd.remote.s32 $0x1  }
0xc6: {  	_ =	sfence.sel $0xFFFF  }
0xc7: {  	[dreg:$0x0] =	wrdreg $0xFFFFFFFF;
	(pc) =	sbr.abs _section_cstart, $3  }
0xc8: {  	[dreg:$0x1] =	wrdreg $0xFFFFFFFF  }
0xc9: {  	_ =	task.clear_ibuf [dreg:s8], $0x2FFFF;
	_ =	strace $0x9FFFFFFF  }
0xca: {  	(tm) =	ssettm $0x7FFFFFFF  }
0xcb: {  	_ =	shalt  }
tec
execute0_lowered:
.L_overlay_start_1:
0x0: {  	(tag) =	ssettag $0x1  }
0x1: {  	s0 =	rddreg [dreg:$0x0]  }
0x2: {  	s1 =	rddreg [dreg:$0x1]  }
0x3: {  	s2 =	rddreg [dreg:$0x2]  }
0x4: {  	s3 =	rddreg [dreg:$0x3];
	s5 =	srdreg.scid  }
0x5: {  	s13 =	stileid.u32;
	s4 =	simm.s32 $0x0;
	s17 =	simm.s32 $0x5  }
0x6: {  	s18 =	simm.s32 $0x2800;
	s19 =	simm.s32 $0x80;
	s20 =	simm.s32 $0x2900  }
0x7: {  	s21 =	simm.s32 $0x2880;
	s22 =	simm.s32 $0x6900;
	s23 =	simm.s32 $0x1  }
0x8: {  	s28 =	simm.s32 $0x3;
	s30 =	simm.s32 $0x0;
	s7 =	smul.u32 $0x2800, s13  }
0x9: {  	s6 =	sand.u32 $0x1, s5;
	[smem:$0x7FF] =	sst s4;
	s25 =	smul.u32 $0x50000, s13  }
0xa: {  	s5 =	sadd.s32 $0x2A00, s0;
	s9 =	sadd.s32 $0x2AA00, s0;
	s31 =	smul.u32 $0x500, s13  }
0xb: {  	s11 =	sshll.u32 s13, $0x6;
	s8 =	smul.u32 $0x28000, s6;
	_ =	strace $0x8000004D  }
0xc: {  	[dreg:$0x5] =	wrdreg s9;
	s24 =	ssub.s32 $0x2, s6;
	s10 =	sshll.u32 s6, $0x4  }
0xd: {  	s29 =	smul.u32 $0x5000, s6;
	s26 =	sshrl.u32 s24, $0x1;
	s10 =	sor.u32 s13, s10  }
0xe: {  	s9 =	sshrl.u32 s25, $0x2;
	s25 =	simm.s32 $0x4;
	s7 =	sadd.s32 s7, s8  }
0xf: {  	s10 =	smul.u32 $0x500, s10;
	s12 =	ssub.s32 s24, s26;
	s16 =	sadd.s32 s9, s3  }
0x10: {  	s15 =	sadd.s32 s31, s29;
	s26 =	simm.s32 $0x2;
	s0 =	sadd.s32 s7, s0  }
0x11: {  	s7 =	sor.u32 $0x1C05, s11;
	s11 =	smax.u32 s12, $0x1;
	s16 =	sshrl.u32 s16, $0x3  }
0x12: {  	s8 =	sadd.s32 s1, s10;
	s9 =	sadd.s32 s2, s10;
	s10 =	sadd.s32 $0x2D200, s0  }
0x13: {  	s12 =	sadd.s32 $0x10, s9;
	s13 =	sadd.s32 $0x20, s9;
	s14 =	sadd.s32 $0x4F0, s9  }
.LBB2_1:
0x14: {  	s0 =	rddreg [dreg:$0x5]  }
0x15: {  	[spmem:s16], [sflag:s7] =	dma.local [hbm:s0], $0x2800  }
0x16: {  	_ =	swait.ge [sflag:s17], $0x2800  }
0x17: {  	[sflag:s17] =	ssyncset.done $0x0  }
0x18: {  	[sflag:s17] =	ssyncadd.s32 $0xFFFFD800  }
0x19: {  	[tilespmem:s4], [sflag:$0x5] =	stream.linear.gather [hbm4b:s8+s4], $0x2800, $0x38;
	[tilespmem:$0x1E900] =	vst v63  }
0x1a: {  	_ =	swait.ge [sflag:s17], $0x2800  }
0x1b: {  	[sflag:s17] =	ssyncset.done $0x0  }
0x1c: {  	[sflag:s17] =	ssyncadd.s32 $0xFFFFD800  }
0x1d: {  	[tilespmem:s18], [sflag:$0x5] =	stream.linear.gather [hbm4b:s9+s4], $0x80, $0x38;
	[tilespmem:$0x1E900] =	vst v63  }
0x1e: {  	_ =	swait.ge [sflag:s17], $0x80  }
0x1f: {  	[sflag:s17] =	ssyncset.done $0x0  }
0x20: {  	[sflag:s17] =	ssyncadd.s32 $0xFFFFFF80  }
0x21: {  	[bflag:$0x0] =	sbarrier.arrive $0xFFFF  }
0x22: {  	[tilespmem:s20], [sflag:$0x1] =	stream.indirect.gather [hbm4b:s5+s19], $0x80, s4, s19, $0xb8;
	[tilespmem:$0x1E900] =	vst v63  }
0x23: {  	_ = 	snop  }
0x24: {  	[tilespmem:s21], [sflag:$0x4] =	stream.linear.gather [hbm4b:s12+s4], $0x80, $0x38;
	[tilespmem:$0x1E900] =	vst v63  }
0x25: {  	_ = 	snop  }
0x26: {  	[tilespmem:s22], [sflag:$0x2] =	stream.indirect.gather [hbm4b:s5+s19], $0x80, s19, s19, $0xb8;
	[tilespmem:$0x1E900] =	vst v63  }
0x27: {  	_ =	swait.ge [sflag:s23], $0x4000  }
0x28: {  	[sflag:s23] =	ssyncset.done $0x0  }
0x29: {  	[sflag:s23] =	ssyncadd.s32 $0xFFFFC000  }
0x2a: {  	[spmem:s3] =	stream.indirect.scatter.add.f32 [tilespmem:s20], [sflag:$0x5], $0x80, s18, s19, $0xb8;
	[tilespmem:$0x1E900] =	vst v63  }
0x2b: {  	_ =	swait.ge [sflag:s17], $0x4000  }
0x2c: {  	[sflag:s17] =	ssyncset.done $0x0  }
0x2d: {  	[sflag:s17] =	ssyncadd.s32 $0xFFFFC000  }
0x2e: {  	[tilespmem:s18], [sflag:$0x3] =	stream.linear.gather [hbm4b:s13+s4], $0x80, $0x38;
	[tilespmem:$0x1E900] =	vst v63  }
0x2f: {  	s6 =	simm.s32 $0x100  }
0x30: {  	[tilespmem:s20], [sflag:$0x1] =	stream.indirect.gather [hbm4b:s5+s19], $0x80, s6, s19, $0xb8;
	[tilespmem:$0x1E900] =	vst v63  }
0x31: {  	_ =	swait.ge [sflag:s25], $0x80  }
0x32: {  	[sflag:s25] =	ssyncset.done $0x0  }
0x33: {  	[sflag:s25] =	ssyncadd.s32 $0xFFFFFF80  }
0x34: {  	_ =	swait.ge [sflag:s26], $0x4000  }
0x35: {  	[sflag:s26] =	ssyncset.done $0x0  }
0x36: {  	s1 =	simm.s32 $0x30;
	s0 =	sadd.s32 $0x40, s15;
	[sflag:s26] =	ssyncadd.s32 $0xFFFFC000  }
0x37: {  	[spmem:s3] =	stream.indirect.scatter.add.f32 [tilespmem:s22], [sflag:$0x5], $0x80, s21, s19, $0xb8;
	[tilespmem:$0x1E900] =	vst v63  }
0x38: {  	s1 =	sand.u32 $0x70, s1;
	s6 =	sadd.s32 $0xFFFFFFE0, s0;
	_ =	swait.ge [sflag:s17], $0x4000  }
0x39: {  	s1 =	sadd.s32 s2, s1;
	s6 =	sand.u32 $0xFFFFF80, s6;
	[sflag:s17] =	ssyncset.done $0x0  }
0x3a: {  	s1 =	sadd.s32 s6, s1;
	[sflag:s17] =	ssyncadd.s32 $0xFFFFC000  }
0x3b: {  	[tilespmem:s21], [sflag:$0x4] =	stream.linear.gather [hbm4b:s1+s4], $0x80, $0x38;
	[tilespmem:$0x1E900] =	vst v63  }
0x3c: {  	s24 =	simm.s32 $0x180  }
0x3d: {  	[tilespmem:s22], [sflag:$0x2] =	stream.indirect.gather [hbm4b:s5+s19], $0x80, s24, s19, $0xb8;
	[tilespmem:$0x1E900] =	vst v63  }
0x3e: {  	_ =	swait.ge [sflag:s28], $0x80  }
0x3f: {  	[sflag:s28] =	ssyncset.done $0x0  }
0x40: {  	[sflag:s28] =	ssyncadd.s32 $0xFFFFFF80  }
0x41: {  	_ =	swait.ge [sflag:s23], $0x4000  }
0x42: {  	[sflag:s23] =	ssyncset.done $0x0  }
0x43: {  	s6 =	simm.s32 $0x40;
	[sflag:s23] =	ssyncadd.s32 $0xFFFFC000  }
0x44: {  	[spmem:s3] =	stream.indirect.scatter.add.f32 [tilespmem:s20], [sflag:$0x5], $0x80, s18, s19, $0xb8;
	[tilespmem:$0x1E900] =	vst v63  }
0x45: {  	s1 =	sand.u32 $0x60, s6;
	_ =	swait.ge [sflag:s17], $0x4000  }
0x46: {  	s0 =	sand.u32 $0xFFFFF80, s0;
	s1 =	sadd.s32 s2, s1;
	[sflag:s17] =	ssyncset.done $0x0  }
0x47: {  	s0 =	sadd.s32 s0, s1;
	[sflag:s17] =	ssyncadd.s32 $0xFFFFC000  }
0x48: {  	[tilespmem:s18], [sflag:$0x3] =	stream.linear.gather [hbm4b:s0+s4], $0x80, $0x38;
	[tilespmem:$0x1E900] =	vst v63  }
0x49: {  	s24 =	simm.s32 $0x200  }
0x4a: {  	[tilespmem:s20], [sflag:$0x1] =	stream.indirect.gather [hbm4b:s5+s19], $0x80, s24, s19, $0xb8;
	[tilespmem:$0x1E900] =	vst v63  }
0x4b: {  	_ =	swait.ge [sflag:s25], $0x80  }
0x4c: {  	[sflag:s25] =	ssyncset.done $0x0  }
0x4d: {  	[sflag:s25] =	ssyncadd.s32 $0xFFFFFF80  }
0x4e: {  	s6 =	simm.s32 $0x50;
	_ =	swait.ge [sflag:s26], $0x4000  }
0x4f: {  	s31 =	simm.s32 $0x280;
	s6 =	sand.u32 $0x70, s6;
	[sflag:s26] =	ssyncset.done $0x0  }
0x50: {  	s1 =	simm.s32 $0x80;
	s24 =	sadd.s32 $0x60, s15;
	[sflag:s26] =	ssyncadd.s32 $0xFFFFC000  }
0x51: {  	[spmem:s3] =	stream.indirect.scatter.add.f32 [tilespmem:s22], [sflag:$0x5], $0x80, s21, s19, $0xb8;
	[tilespmem:$0x1E900] =	vst v63  }
0x52: {  	s6 =	sadd.s32 s2, s6;
	s29 =	sadd.s32 $0xFFFFFFE0, s24;
	_ =	swait.ge [sflag:s17], $0x4000  }
0x53: {  	s0 =	simm.s32 $0x60;
	s29 =	sand.u32 $0xFFFFF80, s29;
	[sflag:s17] =	ssyncset.done $0x0  }
.LBB2_2:
0x54: {  	s6 =	sadd.s32 s29, s6;
	s24 =	sand.u32 $0xFFFFF80, s24;
	[sflag:s17] =	ssyncadd.s32 $0xFFFFC000  }
0x55: {  	[tilespmem:s21], [sflag:$0x4] =	stream.linear.gather [hbm4b:s6+s4], $0x80, $0x38;
	[tilespmem:$0x1E900] =	vst v63  }
0x56: {  	p0 =	sne.s32 s1, $0x4E0;
	s6 =	smov.u32 s1;
	s1 =	sadd.s32 $0x20, s1  }
0x57: {  	[tilespmem:s22], [sflag:$0x2] =	stream.indirect.gather [hbm4b:s5+s19], $0x80, s31, s19, $0xb8;
	[tilespmem:$0x1E900] =	vst v63  }
0x58: {  	_ =	swait.ge [sflag:s28], $0x80  }
0x59: {  	[sflag:s28] =	ssyncset.done $0x0  }
0x5a: {  	[sflag:s28] =	ssyncadd.s32 $0xFFFFFF80  }
0x5b: {  	_ =	swait.ge [sflag:s23], $0x4000  }
0x5c: {  	[sflag:s23] =	ssyncset.done $0x0  }
0x5d: {  	[sflag:s23] =	ssyncadd.s32 $0xFFFFC000  }
0x5e: {  	[spmem:s3] =	stream.indirect.scatter.add.f32 [tilespmem:s20], [sflag:$0x5], $0x80, s18, s19, $0xb8;
	[tilespmem:$0x1E900] =	vst v63  }
0x5f: {  	s29 =	sand.u32 $0x60, s0;
	s0 =	smov.u32 s6;
	_ =	swait.ge [sflag:s17], $0x4000  }
0x60: {  	s6 =	sadd.s32 s2, s29;
	[sflag:s17] =	ssyncset.done $0x0  }
0x61: {  	s6 =	sadd.s32 s24, s6;
	[sflag:s17] =	ssyncadd.s32 $0xFFFFC000  }
0x62: {  	[tilespmem:s18], [sflag:$0x3] =	stream.linear.gather [hbm4b:s6+s4], $0x80, $0x38;
	[tilespmem:$0x1E900] =	vst v63  }
0x63: {  	s6 =	sadd.s32 $0x80, s31  }
0x64: {  	[tilespmem:s20], [sflag:$0x1] =	stream.indirect.gather [hbm4b:s5+s19], $0x80, s6, s19, $0xb8;
	[tilespmem:$0x1E900] =	vst v63  }
0x65: {  	_ =	swait.ge [sflag:s25], $0x80  }
0x66: {  	[sflag:s25] =	ssyncset.done $0x0  }
0x67: {  	[sflag:s25] =	ssyncadd.s32 $0xFFFFFF80  }
0x68: {  	_ =	swait.ge [sflag:s26], $0x4000  }
.Ltmp0:
0x69: {  	s31 =	sadd.s32 $0x100, s31;
	[sflag:s26] =	ssyncset.done $0x0;
	(pc) =	sbr.rel @p0 .LBB2_2-.Ltmp0, $4  }
0x6a: {  	s24 =	sadd.s32 s0, s15;
	s6 =	sadd.s32 $0xFFFFFFF0, s0;
	[sflag:s26] =	ssyncadd.s32 $0xFFFFC000  }
0x6b: {  	[spmem:s3] =	stream.indirect.scatter.add.f32 [tilespmem:s22], [sflag:$0x5], $0x80, s21, s19, $0xb8;
	[tilespmem:$0x1E900] =	vst v63  }
0x6c: {  	s29 =	sadd.s32 $0xFFFFFFE0, s24;
	s6 =	sand.u32 $0x70, s6;
	_ =	swait.ge [sflag:s17], $0x4000  }
0x6d: {  	s29 =	sand.u32 $0xFFFFF80, s29;
	s6 =	sadd.s32 s2, s6;
	[sflag:s17] =	ssyncset.done $0x0  }
0x6e: {  	s1 =	sadd.s32 s29, s6;
	[sflag:s17] =	ssyncadd.s32 $0xFFFFC000  }
0x6f: {  	[tilespmem:s21], [sflag:$0x4] =	stream.linear.gather [hbm4b:s1+s4], $0x80, $0x38;
	[tilespmem:$0x1E900] =	vst v63  }
0x70: {  	_ = 	snop  }
0x71: {  	[tilespmem:s22], [sflag:$0x2] =	stream.indirect.gather [hbm4b:s5+s19], $0x80, s31, s19, $0xb8;
	[tilespmem:$0x1E900] =	vst v63  }
0x72: {  	_ =	swait.ge [sflag:s28], $0x80  }
0x73: {  	[sflag:s28] =	ssyncset.done $0x0  }
0x74: {  	[sflag:s28] =	ssyncadd.s32 $0xFFFFFF80  }
0x75: {  	_ =	swait.ge [sflag:s23], $0x4000  }
0x76: {  	[sflag:s23] =	ssyncset.done $0x0  }
0x77: {  	[sflag:s23] =	ssyncadd.s32 $0xFFFFC000  }
0x78: {  	[spmem:s3] =	stream.indirect.scatter.add.f32 [tilespmem:s20], [sflag:$0x5], $0x80, s18, s19, $0xb8;
	[tilespmem:$0x1E900] =	vst v63  }
0x79: {  	s0 =	sand.u32 $0x60, s0;
	_ =	swait.ge [sflag:s17], $0x4000  }
0x7a: {  	s24 =	sand.u32 $0xFFFFF80, s24;
	s0 =	sadd.s32 s2, s0;
	[sflag:s17] =	ssyncset.done $0x0  }
0x7b: {  	s0 =	sadd.s32 s24, s0;
	[sflag:s17] =	ssyncadd.s32 $0xFFFFC000  }
0x7c: {  	[tilespmem:s18], [sflag:$0x3] =	stream.linear.gather [hbm4b:s0+s4], $0x80, $0x38;
	[tilespmem:$0x1E900] =	vst v63  }
0x7d: {  	s29 =	sadd.s32 $0x80, s31  }
0x7e: {  	[tilespmem:s20], [sflag:$0x1] =	stream.indirect.gather [hbm4b:s5+s19], $0x80, s29, s19, $0xb8;
	[tilespmem:$0x1E900] =	vst v63  }
0x7f: {  	_ =	swait.ge [sflag:s25], $0x80  }
0x80: {  	[sflag:s25] =	ssyncset.done $0x0  }
0x81: {  	[sflag:s25] =	ssyncadd.s32 $0xFFFFFF80  }
0x82: {  	_ =	swait.ge [sflag:s26], $0x4000  }
0x83: {  	[sflag:s26] =	ssyncset.done $0x0  }
0x84: {  	[sflag:s26] =	ssyncadd.s32 $0xFFFFC000  }
0x85: {  	[spmem:s3] =	stream.indirect.scatter.add.f32 [tilespmem:s22], [sflag:$0x5], $0x80, s21, s19, $0xb8;
	[tilespmem:$0x1E900] =	vst v63  }
0x86: {  	_ =	swait.ge [sflag:s17], $0x4000  }
0x87: {  	[sflag:s17] =	ssyncset.done $0x0  }
0x88: {  	[sflag:s17] =	ssyncadd.s32 $0xFFFFC000  }
0x89: {  	[tilespmem:s21], [sflag:$0x4] =	stream.linear.gather [hbm4b:s14+s4], $0x80, $0x38;
	[tilespmem:$0x1E900] =	vst v63  }
0x8a: {  	s31 =	simm.s32 $0x2780  }
0x8b: {  	[tilespmem:s22], [sflag:$0x2] =	stream.indirect.gather [hbm4b:s5+s19], $0x80, s31, s19, $0xb8;
	[tilespmem:$0x1E900] =	vst v63  }
0x8c: {  	_ =	swait.ge [sflag:s28], $0x80  }
0x8d: {  	[sflag:s28] =	ssyncset.done $0x0  }
0x8e: {  	[sflag:s28] =	ssyncadd.s32 $0xFFFFFF80  }
0x8f: {  	_ =	swait.ge [sflag:s23], $0x4000  }
0x90: {  	[sflag:s23] =	ssyncset.done $0x0  }
0x91: {  	[sflag:s23] =	ssyncadd.s32 $0xFFFFC000  }
0x92: {  	[spmem:s3] =	stream.indirect.scatter.add.f32 [tilespmem:s20], [sflag:$0x5], $0x80, s18, s19, $0xb8;
	[tilespmem:$0x1E900] =	vst v63  }
0x93: {  	_ =	swait.ge [sflag:s17], $0x4000  }
0x94: {  	[sflag:s17] =	ssyncset.done $0x0  }
0x95: {  	[sflag:s17] =	ssyncadd.s32 $0xFFFFC000  }
0x96: {  	_ =	swait.ge [sflag:s25], $0x80  }
0x97: {  	[sflag:s25] =	ssyncset.done $0x0  }
0x98: {  	[sflag:s25] =	ssyncadd.s32 $0xFFFFFF80  }
0x99: {  	_ =	swait.ge [sflag:s26], $0x4000  }
0x9a: {  	[sflag:s26] =	ssyncset.done $0x0  }
0x9b: {  	[sflag:s26] =	ssyncadd.s32 $0xFFFFC000  }
0x9c: {  	[spmem:s3] =	stream.indirect.scatter.add.f32 [tilespmem:s22], [sflag:$0x5], $0x80, s21, s19, $0xb8;
	[tilespmem:$0x1E900] =	vst v63  }
0x9d: {  	_ =	swait.ge [sflag:s17], $0x4000  }
0x9e: {  	s30 =	sadd.s32 $0x1, s30;
	[sflag:s17] =	ssyncset.done $0x0  }
0x9f: {  	p0 =	sne.s32 s30, s11;
	[sflag:s17] =	ssyncadd.s32 $0xFFFFC000  }
.Ltmp1:
0xa0: {  	[bflag:$0x0] =	sbarrier.arrive $0xFFFF;
	(pc) =	sbr.rel @p0 .LBB2_1-.Ltmp1, $4  }
0xa1: {  	[hbm:s10], [sflag:s7] =	dma.local [spmem:s16], $0x2800  }
0xa2: {  	_ =	swait.ge [sflag:s17], $0x2800  }
0xa3: {  	[sflag:s17] =	ssyncset.done $0x0  }
0xa4: {  	[sflag:s17] =	ssyncadd.s32 $0xFFFFD800  }
0xa5: {  	_ =	sfence.sel $0x180000  }
0xa6: {  	[bflag:$0x0] =	sbarrier.arrive $0xFFFF  }
0xa7: {  	_ =	strace $0x9000004D  }
0xa8: {  	s0 =	stileid.u32;
	[bflag:$0x2] =	sbarrier.arrive $0xFFFF  }
0xa9: {  	p0 =	sne.s32 s0, $0x0;
	s0 =	rddreg [dreg:$0x4]  }
0xaa: {  	s0 =	sadd.s32 @!p0 $0x100000, s0  }
0xab: {  	[sflag:s0] =	ssyncadd.tile.s32 @!p0 $0x1;
	_ =	shalt  }
.Lfunc_end2:
_tile_overlayer_lowered:
.L_overlay_start_2:
0xac: {  	(tag) =	ssettag $0x2  }
0xad: {  	s0 =	rddreg [dreg:$0x0];
	s2 =	stileid.u32  }
0xae: {  	s1 =	rddreg [dreg:$0x1];
	p0 =	sne.s32 s2, $0x0  }
0xaf: {  	s3 =	rddreg [dreg:$0x2];
	[bflag:$0x3] =	sbarrier.arrive $0xFFFF;
	s2 =	simm.s32 @!p0 $0x1C05  }
0xb0: {  	[timem:s3], [sflag:s2] =	dma.local @!p0 [hbm:s0], s1  }
0xb1: {  	s0 =	simm.s32 @!p0 $0x5  }
0xb2: {  	_ =	swait.ge @!p0 [sflag:s0], s1  }
0xb3: {  	s1 =	ssub.s32 @!p0 $0x0, s1;
	[sflag:s0] =	ssyncset.done @!p0 $0x0  }
0xb4: {  	[sflag:s0] =	ssyncadd.s32 @!p0 s1  }
0xb5: {  	[bflag:$0x3] =	sbarrier.arrive $0xFFFF  }
0xb6: {  	_ =	shalt  }

// kernel: kernel.8.cloned.1.call-start
scs
__scs_entry_jumppad:
0x0: {  	(pc) =	sbr.rel $0x88, $3  }
0x1: {  	(tag) =	ssettag $0x0;
	lr =	simm.s32 $0x1  }
0x2: {  	[smem:$0x3F99] =	sst lr;
	_ =	strace $0xD0000000  }
0x3: {  	_ = 	snop  }
0x4: {  	_ = 	snop  }
0x5: {  	_ = 	snop  }
0x6: {  	_ = 	snop  }
0x7: {  	_ = 	snop  }
__scs_overlays_trampoline_lowered:
0x8: {  	[smem:$0x3FA8] =	sst s0  }
0x9: {  	[smem:$0x3FA9] =	sst s1  }
0xa: {  	[smem:$0x3FAA] =	sst s2  }
0xb: {  	[smem:$0x3FAB] =	sst s3  }
0xc: {  	[smem:$0x3FAC] =	sst s4  }
0xd: {  	[smem:$0x3FAD] =	sst s5  }
0xe: {  	[smem:$0x3FAE] =	sst s6  }
0xf: {  	[smem:$0x3FAF] =	sst s7  }
0x10: {  	[smem:$0x3FB0] =	sst s8  }
0x11: {  	[smem:$0x3FB1] =	sst s9;
	s0 =	simm.s32 @!p0 $0x0  }
0x12: {  	s1 =	sld [smem:$0x3F97];
	s0 =	simm.s32 @p0 $0x1  }
0x13: {  	[smem:$0x3FB2] =	sst s0;
	s0 =	simm.s32 @!p1 $0x0  }
0x14: {  	s2 =	sld [smem:$0x3F96];
	s0 =	simm.s32 @p1 $0x1  }
0x15: {  	[smem:$0x3FB3] =	sst s0;
	s0 =	simm.s32 @!p2 $0x0  }
0x16: {  	s3 =	sld [smem:$0x3FDB];
	s0 =	simm.s32 @p2 $0x1  }
0x17: {  	s4 =	simm.s32 $0x1BF5;
	[smem:$0x3FB5] =	sst s0  }
0x18: {  	s0 =	sld [smem:$0x3F98];
	_ =	swait.ge [sflag:s4], $0x0  }
0x19: {  	s7 =	sld [smem:$0x3F99]  }
0x1a: {  	s8 =	sadd.s32 $0xFFFFE003, lr  }
0x1b: {  	s9 =	sadd.s32 $0xFFFFFEF7, lr;
	s5 =	simm.s32 $0xFFFFFFFF;
	p2 =	slt.u32 s8, $0xFFFFF086  }
0x1c: {  	p1 =	slt.u32 s9, $0xF7A;
	s5 =	simm.s32 @!p2 $0x0  }
0x1d: {  	s5 =	simm.s32 @p1 $0x1;
	p0 =	seq.s32 s7, s2  }
0x1e: {  	s7 =	smul.u32 @!p0 $0xF7A, s2;
	p2 =	seq.s32 @!p0 s5, $0x0  }
0x1f: {  	s9 =	smul.u32 $0xF7A, s1;
	s8 =	simm.s32 @!p0 $0x1BF5;
	p2 =	por !p2, p0  }
0x20: {  	[sflag:s8] =	ssyncset.s32 @!p0 $0xFFFFF086;
	s6 =	sadd.s32 @!p0 s3, s7;
	s7 =	simm.s32 @!p0 $0x108  }
0x21: {  	s3 =	sadd.s32 s3, s9;
	s6 =	sadd.s32 @!p0 $0x88, s6;
	s7 =	simm.s32 @p2 $0x1082  }
0x22: {  	[simem:s7], [sflag:s8] =	dma.local @!p0 [hbm:s6], $0xF7A  }
0x23: {  	s9 =	sor.u32 $0xD0000000, s2;
	s6 =	simm.s32 $0x108;
	_ =	swait.ge @!p0 [sflag:s8], $0x0  }
0x24: {  	s3 =	sadd.s32 $0x88, s3;
	s6 =	simm.s32 @!p1 $0x1082;
	[sflag:s4] =	ssyncset.s32 $0xFFFFF086  }
0x25: {  	[simem:s6], [sflag:s4] =	dma.local [hbm:s3], $0xF7A  }
0x26: {  	[smem:$0x3F99] =	sst s1;
	(tag) =	ssettag s2;
	_ =	strace s9  }
0x27: {  	s1 =	sld [smem:$0x3FA9]  }
0x28: {  	s2 =	sld [smem:$0x3FAA]  }
0x29: {  	s4 =	sld [smem:$0x3FAC]  }
0x2a: {  	p0 =	seq.s32 s5, $0x0;
	s5 =	sld [smem:$0x3FAD]  }
0x2b: {  	s6 =	sld [smem:$0x3FAE]  }
0x2c: {  	s7 =	sld [smem:$0x3FAF]  }
0x2d: {  	s3 =	simm.s32 $0x108;
	s8 =	sld [smem:$0x3FB0]  }
0x2e: {  	s3 =	simm.s32 @!p0 $0x1082;
	s9 =	sld [smem:$0x3FB1]  }
0x2f: {  	lr =	sadd.s32 s0, s3;
	s0 =	sld [smem:$0x3FA8]  }
0x30: {  	s3 =	sld [smem:$0x3FAB]  }
0x31: {  	[smem:$0x3FB4] =	sst s10  }
0x32: {  	s10 =	sld [smem:$0x3FB2];
	_ =	sdelay $0x3  }
0x33: {  	p0 =	seq.s32 s10, $0x1;
	s10 =	sld [smem:$0x3FB4];
	_ =	sdelay $0x3  }
0x34: {  	[smem:$0x3FB4] =	sst s10  }
0x35: {  	s10 =	sld [smem:$0x3FB3];
	_ =	sdelay $0x3  }
0x36: {  	p1 =	seq.s32 s10, $0x1;
	s10 =	sld [smem:$0x3FB4];
	_ =	sdelay $0x3  }
0x37: {  	[smem:$0x3FB4] =	sst s10  }
0x38: {  	s10 =	sld [smem:$0x3FB5]  }
0x39: {  	_ = 	snop;
	(pc) =	sbr.ind lr, $3  }
0x3a: {  	_ = 	snop  }
0x3b: {  	_ = 	snop  }
0x3c: {  	p2 =	seq.s32 s10, $0x1;
	s10 =	sld [smem:$0x3FB4]  }
0x3d: {  	_ =	shalt  }
0x3e: {  	_ =	shalt  }
0x3f: {  	_ =	shalt  }
0x40: {  	_ =	shalt  }
0x41: {  	_ =	shalt  }
0x42: {  	_ =	shalt  }
0x43: {  	_ =	shalt  }
0x44: {  	_ =	shalt  }
0x45: {  	_ =	shalt  }
0x46: {  	_ =	shalt  }
0x47: {  	_ =	shalt  }
0x48: {  	_ =	shalt  }
0x49: {  	_ =	shalt  }
0x4a: {  	_ =	shalt  }
0x4b: {  	_ =	shalt  }
0x4c: {  	_ =	shalt  }
0x4d: {  	_ =	shalt  }
0x4e: {  	_ =	shalt  }
0x4f: {  	_ =	shalt  }
0x50: {  	_ =	shalt  }
0x51: {  	_ =	shalt  }
0x52: {  	_ =	shalt  }
0x53: {  	_ =	shalt  }
0x54: {  	_ =	shalt  }
0x55: {  	_ =	shalt  }
0x56: {  	_ =	shalt  }
0x57: {  	_ =	shalt  }
0x58: {  	_ =	shalt  }
0x59: {  	_ =	shalt  }
0x5a: {  	_ =	shalt  }
0x5b: {  	_ =	shalt  }
0x5c: {  	_ =	shalt  }
0x5d: {  	_ =	shalt  }
0x5e: {  	_ =	shalt  }
0x5f: {  	_ =	shalt  }
0x60: {  	_ =	shalt  }
0x61: {  	_ =	shalt  }
0x62: {  	_ =	shalt  }
0x63: {  	_ =	shalt  }
0x64: {  	_ =	shalt  }
0x65: {  	_ =	shalt  }
0x66: {  	_ =	shalt  }
0x67: {  	_ =	shalt  }
0x68: {  	_ =	shalt  }
0x69: {  	_ =	shalt  }
0x6a: {  	_ =	shalt  }
0x6b: {  	_ =	shalt  }
0x6c: {  	_ =	shalt  }
0x6d: {  	_ =	shalt  }
0x6e: {  	_ =	shalt  }
0x6f: {  	_ =	shalt  }
0x70: {  	_ =	shalt  }
0x71: {  	_ =	shalt  }
0x72: {  	_ =	shalt  }
0x73: {  	_ =	shalt  }
0x74: {  	_ =	shalt  }
0x75: {  	_ =	shalt  }
0x76: {  	_ =	shalt  }
0x77: {  	_ =	shalt  }
0x78: {  	_ =	shalt  }
0x79: {  	_ =	shalt  }
0x7a: {  	_ =	shalt  }
0x7b: {  	_ =	shalt  }
0x7c: {  	_ =	shalt  }
0x7d: {  	_ =	shalt  }
0x7e: {  	_ =	shalt  }
0x7f: {  	_ =	shalt  }
0x80: {  	_ =	shalt  }
0x81: {  	_ =	shalt  }
0x82: {  	_ =	shalt  }
0x83: {  	_ =	shalt  }
0x84: {  	_ =	shalt  }
0x85: {  	_ =	shalt  }
0x86: {  	_ =	shalt  }
0x87: {  	_ =	shalt  }
.Lfunc_end0:
.L_simem_size_0:
called_computation_lowered:
.L_overlay_start_0:
0x88: {  	s2 =	sld [smem:$0x3FD9]  }
0x89: {  	s3 =	sld [smem:$0x3FFE];
	_ =	sdelay $0x1  }
0x8a: {  	s1 =	srdreg.scid  }
0x8b: {  	s0 =	sand.u32 $0x1, s1  }
0x8c: {  	s14 =	sshll.u32 s0, $0xA;
	s2 =	sadd.s32 s3, s2  }
0x8d: {  	s2 =	sadd.s32 s2, s14  }
0x8e: {  	[smem:$0x3FC0] =	sst s2  }
0x8f: {  	_ = 	snop  }
0x90: {  	s2 =	sld [smem:$0x3FD0];
	_ =	sdelay $0x2  }
0x91: {  	s15 =	simm.s32 $0xA;
	s4 =	simm.s32 $0x10  }
0x92: {  	[smem:s4], [sflag:s15] =	dma.local [hbm:s2], $0x1  }
0x93: {  	_ =	swait.eq [sflag:s15], $0x1  }
0x94: {  	[sflag:s15] =	ssyncset.done $0x0  }
0x95: {  	[sflag:s15] =	ssyncadd.s32 $0xFFFFFFFF  }
0x96: {  	s16 =	sld [smem:$0x10];
	(tm) =	ssettm $0x1  }
0x97: {  	s17 =	sld [smem:$0x3FFB];
	_ =	sdelay $0x3  }
0x98: {  	_ =	strace s17  }
0x99: {  	s3 =	sld [smem:$0x3FFC];
	_ =	sdelay $0x3  }
0x9a: {  	_ =	strace s3  }
0x9b: {  	s3 =	sld [smem:$0x3FFD];
	_ =	sdelay $0x3  }
0x9c: {  	_ =	strace s3  }
0x9d: {  	_ =	strace $0x8FFFFFFF  }
0x9e: {  	s18 =	sld [smem:$0x3FDB];
	_ =	sdelay $0x1  }
0x9f: {  	s19 =	simm.s32 $_scs_section_size  }
0xa0: {  	s5 =	simm.s32 $_size__tile_overlayer_lowered;
	s6 =	simm.s32 $_tile_overlayer_lowered  }
0xa1: {  	s22 =	simm.s32 $0x1BFF;
	s21 =	sshll.u32 s6, $0x1;
	s3 =	sadd.s32 s19, s18  }
0xa2: {  	s7 =	simm.s32 $0x0;
	s20 =	sshll.u32 s5, $0x1;
	s5 =	sadd.s32 s21, s3  }
0xa3: {  	[timem:s7], [sflag:s22] =	dma.local [hbm:s5], s20  }
0xa4: {  	_ =	swait.ge [sflag:s22], s20  }
0xa5: {  	s4 =	ssub.s32 $0x0, s20;
	[sflag:s22] =	ssyncset.done $0x0  }
0xa6: {  	[sflag:s22] =	ssyncadd.s32 s4;
	_ =	sdelay $0x1  }
0xa7: {  	s23 =	simm.s32 $0x1B8B  }
0xa8: {  	_ =	swait.ge [sflag:s23], $0x1  }
0xa9: {  	[sflag:s23] =	ssyncset.done $0x0  }
0xaa: {  	s25 =	simm.s32 $0x1B8E;
	s24 =	sld [smem:$0x3FFE];
	[sflag:s23] =	ssyncadd.s32 $0xFFFFFFFF  }
0xab: {  	s26 =	simm.s32 $execute0_lowered;
	[smem:$0x3FD2] =	sst s25  }
0xac: {  	s5 =	sshll.u32 s26, $0x1;
	_ =	strace $0x80000046;
	[dreg:$0x1] =	wrdreg $0xFFFFFFFF  }
0xad: {  	s28 =	simm.s32 $_size_execute0_lowered;
	s3 =	sadd.s32 s3, s5;
	[dreg:$0x0] =	wrdreg $0x0  }
0xae: {  	s5 =	sshll.u32 s28, $0x1;
	[dreg:$0x2] =	wrdreg s3  }
0xaf: {  	[dreg:$0x3] =	wrdreg s5  }
0xb0: {  	[dreg:$0x4] =	wrdreg $0xC0  }
0xb1: {  	_ =	task [dreg:s7], $0x5FFFF  }
0xb2: {  	[dreg:$0x1] =	wrdreg $0xFFFFFFFF  }
0xb3: {  	[dreg:$0x0] =	wrdreg $0x60  }
0xb4: {  	[dreg:$0x2] =	wrdreg s16  }
0xb5: {  	[dreg:$0x3] =	wrdreg s24  }
0xb6: {  	[dreg:$0x4] =	wrdreg $0x9  }
0xb7: {  	_ =	task.clear_ibuf [dreg:s7], $0x5FFFF;
	_ =	strace $0x90000046  }
0xb8: {  	s29 =	simm.s32 $0x9;
	_ =	strace $0x80000048  }
0xb9: {  	_ =	swait.ge [sflag:s29], $0x1  }
0xba: {  	[sflag:s29] =	ssyncadd.s32 $0xFFFFFFFF  }
0xbb: {  	_ =	strace $0x90000048  }
0xbc: {  	_ =	sfence  }
0xbd: {  	s30 =	sld [smem:$0x0];
	_ =	sdelay $0x2  }
0xbe: {  	s31 =	sshll.u32 s1, $0xD;
	s1 =	sshrl.u32 s1, $0x2  }
0xbf: {  	s3 =	sand.u32 $0x4000, s31;
	s1 =	sadd.s32 s1, s30  }
0xc0: {  	s0 =	sor.u32 s3, s0;
	s1 =	sshll.u32 s1, $0x11  }
0xc1: {  	s0 =	sor.u32 s1, s0  }
0xc2: {  	s0 =	sadd.s32 $0x8F2B, s0  }
0xc3: {  	[sflag:s0] =	ssyncadd.remote.s32 $0x1  }
0xc4: {  	_ =	sfence.sel $0xFFFF  }
0xc5: {  	[dreg:$0x0] =	wrdreg $0xFFFFFFFF;
	(pc) =	sbr.abs _section_cstart, $3  }
0xc6: {  	[dreg:$0x1] =	wrdreg $0xFFFFFFFF  }
0xc7: {  	_ =	task.clear_ibuf [dreg:s7], $0x2FFFF;
	_ =	strace $0x9FFFFFFF  }
0xc8: {  	(tm) =	ssettm $0x7FFFFFFF  }
0xc9: {  	_ =	shalt  }
tec
execute0_lowered:
.L_overlay_start_1:
0x0: {  	(tag) =	ssettag $0x1  }
0x1: {  	s0 =	srdreg.scid;
	s4 =	rddreg [dreg:$0x0]  }
0x2: {  	s5 =	rddreg [dreg:$0x1];
	s1 =	stileid.u32;
	s3 =	sand.u32 $0x1, s0  }
0x3: {  	s2 =	simm.s32 $0x0;
	s9 =	simm.s32 $0x0;
	s6 =	sshll.u32 s3, $0x4  }
0x4: {  	s0 =	rddreg [dreg:$0x2];
	s7 =	ssub.s32 $0x2, s3;
	s6 =	sor.u32 s1, s6  }
0x5: {  	[smem:$0x7FF] =	sst s2;
	s8 =	sshrl.u32 s7, $0x1;
	s6 =	smul.u32 $0x500, s6  }
0x6: {  	_ =	strace $0x80000047;
	s3 =	sadd.s32 $0x2A00, s5;
	s7 =	ssub.s32 s7, s8  }
0x7: {  	s8 =	simm.s32 $0x1;
	s5 =	sadd.s32 s6, s5;
	s4 =	sadd.s32 s4, s6  }
0x8: {  	v0 =	vimm.f32 $1.000000000e+00;
	s6 =	smax.u32 s7, $0x1;
	s7 =	simm.s32 $0x2800;
	s5 =	sadd.s32 $0x3000, s5  }
.LBB2_1:
0x9: {  	[tilespmem:s7], [sflag:$0x1] =	stream.linear.gather [hbm4b:s3+s2], $0x2800, $0x38;
	[tilespmem:$0x5000] =	vst v63  }
0xa: {  	_ =	swait.ge [sflag:s8], $0x2800  }
0xb: {  	[sflag:s8] =	ssyncset.done $0x0  }
0xc: {  	[sflag:s8] =	ssyncadd.s32 $0xFFFFD800  }
0xd: {  	[tilespmem:s2], [sflag:$0x1] =	stream.linear.gather [hbm4b:s4+s2], $0x2800, $0x38;
	[tilespmem:$0x5000] =	vst v63  }
0xe: {  	_ =	swait.ge [sflag:s8], $0x2800  }
0xf: {  	[sflag:s8] =	ssyncset.done $0x0  }
0x10: {  	s11 =	simm.s32 $0x0;
	s10 =	simm.s32 $0x40;
	[sflag:s8] =	ssyncadd.s32 $0xFFFFD800  }
.LBB2_2:
0x11: {  	p0 =	sne.s32 s10, $0x9FC0;
	v1 =	vld [tilespmem:s11+$0x0];
	_ =	sdelay $0x3  }
.Ltmp0:
0x12: {  	(pc) =	sbr.rel @p0 .LBB2_2-.Ltmp0, $2  }
0x13: {  	_ =	sdelay $0x2  }
0x14: {  	s11 =	sshra.s32 s10, $0x2;
	s10 =	sadd.s32 $0x40, s10;
	[tilespmem:v1+s7+$0x0] =	vst.idx.add.f32.msk $0xffff, v0  }
0x15: {  	v1 =	vld [tilespmem:s11+$0x0];
	_ =	sdelay $0x5  }
0x16: {  	s9 =	sadd.s32 $0x1, s9  }
0x17: {  	p0 =	sne.s32 s9, s6  }
.Ltmp1:
0x18: {  	[tilespmem:v1+s7+$0x0] =	vst.idx.add.f32.msk $0xffff, v0;
	(pc) =	sbr.rel @p0 .LBB2_1-.Ltmp1, $4  }
0x19: {  	[hbm4b:s5+s2] =	stream.linear.scatter [tilespmem:s7], [sflag:$0x1], $0x2800, $0x38;
	[tilespmem:$0x5000] =	vst v63  }
0x1a: {  	_ =	swait.ge [sflag:s8], $0x2800  }
0x1b: {  	[sflag:s8] =	ssyncset.done $0x0  }
0x1c: {  	[sflag:s8] =	ssyncadd.s32 $0xFFFFD800  }
0x1d: {  	_ =	sfence.sel $0x180000  }
0x1e: {  	[bflag:$0x0] =	sbarrier.arrive $0xFFFF  }
0x1f: {  	p0 =	sne.s32 s1, $0x0;
	_ =	strace $0x90000047  }
0x20: {  	s0 =	sadd.s32 @!p0 $0x100000, s0;
	[bflag:$0x2] =	sbarrier.arrive $0xFFFF  }
0x21: {  	[sflag:s0] =	ssyncadd.tile.s32 @!p0 $0x1;
	_ =	shalt  }
.Lfunc_end2:
_tile_overlayer_lowered:
.L_overlay_start_2:
0x22: {  	(tag) =	ssettag $0x2  }
0x23: {  	s0 =	rddreg [dreg:$0x0];
	s2 =	stileid.u32  }
0x24: {  	s1 =	rddreg [dreg:$0x1];
	p0 =	sne.s32 s2, $0x0  }
0x25: {  	s3 =	rddreg [dreg:$0x2];
	[bflag:$0x3] =	sbarrier.arrive $0xFFFF;
	s2 =	simm.s32 @!p0 $0x1C01  }
0x26: {  	[timem:s3], [sflag:s2] =	dma.local @!p0 [hbm:s0], s1  }
0x27: {  	s0 =	simm.s32 @!p0 $0x1  }
0x28: {  	_ =	swait.ge @!p0 [sflag:s0], s1  }
0x29: {  	s1 =	ssub.s32 @!p0 $0x0, s1;
	[sflag:s0] =	ssyncset.done @!p0 $0x0  }
0x2a: {  	[sflag:s0] =	ssyncadd.s32 @!p0 s1  }
0x2b: {  	[bflag:$0x3] =	sbarrier.arrive $0xFFFF  }
0x2c: {  	_ =	shalt  }

</sc_bundles>
